<compile_context>
chip_gen: v7x
topology: tpu7x:2x2x1
jax: 0.10.2.dev20260603
libtpu: 0.0.44.dev20260713+nightly
codegen_flags: <defaults>
</compile_context>

<pallas_src>
import functools

import jax
import jax.numpy as jnp
from jax import lax
from jax.experimental import pallas as pl
from jax.experimental.pallas import tpu as pltpu
from jax.experimental.pallas import tpu_sc as plsc

_N_EDGE_ROWS = 1600001
_PAD_ROWS = 1601536
_TOTAL = 4096 * 4 * 16
_LANES = 128
_ROWS = _TOTAL // _LANES
_NW = 32
_CPW = _ROWS // _NW
_GBLK = 16


def _sc_gather_one(paths2d, tab):
    mesh = plsc.VectorSubcoreMesh(core_axis_name="c", subcore_axis_name="s")
    nblk = _CPW // _GBLK

    @functools.partial(
        pl.kernel,
        out_type=jax.ShapeDtypeStruct((_ROWS, _LANES), jnp.float32),
        mesh=mesh,
        scratch_types=[
            pltpu.VMEM((_CPW, _LANES), jnp.int32),
            pltpu.VMEM((_CPW, _LANES), jnp.float32),
            pltpu.SemaphoreType.DMA,
        ],
    )
    def k(paths_hbm, tab_hbm, out_hbm, idx_v, val_v, sem):
        wid = lax.axis_index("s") * 2 + lax.axis_index("c")
        row0 = wid * _CPW
        pltpu.sync_copy(paths_hbm.at[pl.ds(row0, _CPW)], idx_v)

        def fire(b):
            for j in range(_GBLK):
                c = b * _GBLK + j
                pltpu.async_copy(tab_hbm.at[idx_v.at[c]], val_v.at[c], sem)

        def drain(b):
            for j in range(_GBLK):
                c = b * _GBLK + j
                pltpu.make_async_copy(
                    tab_hbm.at[idx_v.at[c]], val_v.at[c], sem).wait()

        def body(b, carry):
            fire(b)
            return carry

        lax.fori_loop(0, nblk, body, 0)

        def body2(b, carry):
            drain(b)
            return carry

        lax.fori_loop(0, nblk, body2, 0)
        pltpu.sync_copy(val_v, out_hbm.at[pl.ds(row0, _CPW)])

    return k(paths2d, tab)


def _tc_softplus_reduce(vals, paths2d, default_distance):
    def body(v_ref, p_ref, dd_ref, td_ref, fnd_ref):
        p = p_ref[...]
        v = v_ref[...]
        mf = (p != 0).astype(jnp.float32)
        sp = (jnp.maximum(v, 0.0) + jnp.log(1.0 + jnp.exp(-jnp.abs(v)))) * mf
        sp5 = sp.reshape(4, 2, 32, 8, _LANES)
        mf5 = mf.reshape(4, 2, 32, 8, _LANES)
        td = jnp.zeros((4, 32, _LANES), jnp.float32)
        cnt = jnp.zeros((4, 32, _LANES), jnp.float32)
        for jt in range(2):
            for ji in range(8):
                td = td + sp5[:, jt, :, ji, :]
                cnt = cnt + mf5[:, jt, :, ji, :]
        fnd = cnt > 0.0
        td_ref[...] = jnp.where(fnd, td, dd_ref[0, 0])
        fnd_ref[...] = fnd.astype(jnp.int32)

    return pl.pallas_call(
        body,
        out_shape=[
            jax.ShapeDtypeStruct((4, 32, _LANES), jnp.float32),
            jax.ShapeDtypeStruct((4, 32, _LANES), jnp.int32),
        ],
        in_specs=[
            pl.BlockSpec(memory_space=pltpu.VMEM),
            pl.BlockSpec(memory_space=pltpu.VMEM),
            pl.BlockSpec(memory_space=pltpu.SMEM),
        ],
    )(vals, paths2d, default_distance)


def _tc_logsig_reduce(vals):
    def body(v_ref, lp_ref):
        v = v_ref[...]
        ls = jnp.minimum(v, 0.0) - jnp.log(1.0 + jnp.exp(-jnp.abs(v)))
        ls5 = ls.reshape(4, 2, 32, 8, _LANES)
        lp = jnp.zeros((4, 32, _LANES), jnp.float32)
        for jt in range(2):
            for ji in range(8):
                lp = lp + ls5[:, jt, :, ji, :]
        lp_ref[...] = lp

    return pl.pallas_call(
        body,
        out_shape=jax.ShapeDtypeStruct((4, 32, _LANES), jnp.float32),
        in_specs=[pl.BlockSpec(memory_space=pltpu.VMEM)],
    )(vals)


def _flatten_table(tab2d, dummy_val=None):
    ext = jnp.concatenate(
        [tab2d, jnp.zeros((_PAD_ROWS - _N_EDGE_ROWS, 1), jnp.float32)],
        axis=0)
    if dummy_val is not None:
        ri = lax.broadcasted_iota(jnp.int32, (_PAD_ROWS, 1), 0)
        ext = jnp.where(ri == 0, dummy_val, ext)
    return ext.reshape(_PAD_ROWS)


def kernel(from_ix, to_ix, target_paths, edge_weight_logits,
           edge_adjacency_logits, default_distance):
    paths2d = (target_paths.reshape(32, 128, 4, 2, 8)
               .transpose(2, 3, 0, 4, 1)
               .reshape(_ROWS, _LANES))
    w_tab = _flatten_table(edge_weight_logits)
    w_vals = _sc_gather_one(paths2d, w_tab)
    a_tab = _flatten_table(edge_adjacency_logits, 100.0)
    a_vals = _sc_gather_one(paths2d, a_tab)
    td, fnd = _tc_softplus_reduce(w_vals, paths2d, default_distance)
    lp = _tc_logsig_reduce(a_vals)
    shape = target_paths.shape[:-1]
    td = td.transpose(1, 2, 0).reshape(shape)
    lp = lp.transpose(1, 2, 0).reshape(shape)
    fnd = fnd.transpose(1, 2, 0).reshape(shape)
    return td, lp, fnd.astype(jnp.bool_)

# --- scband reference (transcript-rebuilt; emitter-appended) ---
"""Pipeline reference for scband-graph-embedding-798863917733 (READ-ONLY COPY).

The authoritative reference and input builder live on the scoring server;
editing this copy changes nothing except your own understanding.
"""

import jax, jax.numpy as jnp
import numpy as np

N_NODES = 100000
AVG_DEG = 16
NUM_EDGES = N_NODES * AVG_DEG + 1  # +1 dummy padding edge at index 0, matching the module's layout
BATCH = 4096
NUM_TARGETS = 4
MAX_LENGTH = 16


def setup_inputs(seed: int = 0) -> dict:
    key = jax.random.key(seed)
    k1, k2, k3, k4, k5 = jax.random.split(key, 5)
    from_ix = jax.random.randint(k1, (BATCH,), 0, N_NODES, dtype=jnp.int32)
    to_ix = jax.random.randint(k2, (BATCH, NUM_TARGETS), 0, N_NODES, dtype=jnp.int32)
    # Stand-in for the C++ batch_dijkstra output: edge-index sequences per (query, target),
    # padded with the dummy edge index 0.
    target_paths = jax.random.randint(k3, (BATCH, NUM_TARGETS, MAX_LENGTH), 0, NUM_EDGES, dtype=jnp.int32)
    # Learned parameters sized per the graph (num_edges + 1 rows, 1 column), as in the module.
    edge_weight_logits = jax.random.normal(k4, (NUM_EDGES, 1), dtype=jnp.float32)
    edge_adjacency_logits = jax.random.normal(k5, (NUM_EDGES, 1), dtype=jnp.float32)
    default_distance = jnp.zeros((1, 1), dtype=jnp.float32)
    return {
        "from_ix": from_ix,
        "to_ix": to_ix,
        "target_paths": target_paths,
        "edge_weight_logits": edge_weight_logits,
        "edge_adjacency_logits": edge_adjacency_logits,
        "default_distance": default_distance,
    }


def reference(from_ix, to_ix, target_paths, edge_weight_logits, edge_adjacency_logits, default_distance):
    # _get_logits: F.embedding(sliced_indices, sliced_logits, sparse=True).view(*indices.shape)
    w_logits = jnp.take(edge_weight_logits, target_paths, axis=0)[..., 0]
    a_logits = jnp.take(edge_adjacency_logits, target_paths, axis=0)[..., 0]
    mask = (target_paths != 0).astype(jnp.float32)
    # distance of an edge = softplus(weight_logit); log-prob of an edge = log_sigmoid(adjacency_logit)
    target_distances = jnp.sum(jax.nn.softplus(w_logits) * mask, axis=-1)
    logp_target_paths = jnp.sum(jax.nn.log_sigmoid(a_logits) * mask, axis=-1)
    found_target = jnp.any(target_paths != 0, axis=-1)
    # _get_default_distance: embedding lookup of row 0 of the 1x1 default_distance table
    dd = jnp.take(default_distance, jnp.zeros((1,), dtype=jnp.int32), axis=0).reshape(())
    target_distances = jnp.where(found_target, target_distances, dd)
    return target_distances, logp_target_paths, found_target

if __name__ == "__main__":
    import jax
    _d = setup_inputs()
    print(jax.jit(kernel)(*tuple(_d.values())))

</pallas_src>

<mosaic_0001>
#map = affine_map<(d0, d1) -> (0, 0)>
#map1 = affine_map<(d0, d1) -> (0)>
module attributes {stable_mosaic.version = 14 : i64} {
  func.func @k(%arg0: i32, %arg1: i32, %arg2: memref<2048x128xi32, #tpu.memory_space<hbm>>, %arg3: memref<1601536xf32, #tpu.memory_space<hbm>>, %arg4: memref<2048x128xf32, #tpu.memory_space<hbm>>, %arg5: memref<64x128xi32, #tpu.memory_space<vmem>>, %arg6: memref<64x128xf32, #tpu.memory_space<vmem>>, %arg7: memref<!tpu.dma_semaphore, #tpu.memory_space<semaphore_mem>>) attributes {dimension_semantics = [#tpu.dimension_semantics<core_parallel>, #tpu.dimension_semantics<subcore_parallel>], iteration_bounds = array<i64: 2, 16>, scalar_prefetch = 0 : i64, scratch_operands = 3 : i64, tpu.core_type = #tpu.core_type<sc_vector_subcore>, window_params = [{transform_indices = #map}, {transform_indices = #map1}, {transform_indices = #map}]} {
    %mul3A = arith.constant 2 : i32
    %mul3A_0 = arith.muli %arg1, %mul3A : i32
    %add3A = arith.addi %mul3A_0, %arg0 : i32
    %mul3A_1 = arith.constant 64 : i32
    %mul3A_2 = arith.muli %add3A, %mul3A_1 : i32
    "tpu.region"() ({
      %run_scoped3A = tpu.sem_alloc : memref<!tpu.dma_semaphore, #tpu.memory_space<semaphore_mem>>
      %dma_start3A = arith.constant 0 : i32
      %dma_start3A_14 = tpu.memref_slice %arg2[%mul3A_2, %dma_start3A] : memref<2048x128xi32, #tpu.memory_space<hbm>> -> memref<64x128xi32, #tpu.memory_space<hbm>>
      %dma_start3A_15 = arith.constant 0 : i32
      %dma_start3A_16 = tpu.memref_slice %arg2[%mul3A_2, %dma_start3A_15] : memref<2048x128xi32, #tpu.memory_space<hbm>> -> memref<64x128xi32, #tpu.memory_space<hbm>>
      tpu.enqueue_dma source(%dma_start3A_16 : memref<64x128xi32, #tpu.memory_space<hbm>>) target(%arg5 : memref<64x128xi32, #tpu.memory_space<vmem>>) target_semaphore(%run_scoped3A : memref<!tpu.dma_semaphore, #tpu.memory_space<semaphore_mem>>)
      %dma_wait3A = arith.constant 0 : i32
      %dma_wait3A_17 = tpu.memref_slice %arg2[%mul3A_2, %dma_wait3A] : memref<2048x128xi32, #tpu.memory_space<hbm>> -> memref<64x128xi32, #tpu.memory_space<hbm>>
      %dma_wait3A_18 = arith.constant 0 : i32
      %dma_wait3A_19 = tpu.memref_slice %arg2[%mul3A_2, %dma_wait3A_18] : memref<2048x128xi32, #tpu.memory_space<hbm>> -> memref<64x128xi32, #tpu.memory_space<hbm>>
      tpu.wait_dma2 semaphore(%run_scoped3A : memref<!tpu.dma_semaphore, #tpu.memory_space<semaphore_mem>>) src(%dma_wait3A_19 : memref<64x128xi32, #tpu.memory_space<hbm>>) dst(%arg5 : memref<64x128xi32, #tpu.memory_space<vmem>>)
      tpu.yield
    }) : () -> ()
    %scan3A = arith.constant 0 : i32
    %scan3A_3 = arith.constant 0 : i32
    %scan3A_4 = arith.constant 4 : i32
    %scan3A_5 = arith.addi %scan3A_3, %scan3A_4 : i32
    %scan3A_6 = arith.constant 1 : i32
    scf.for %scan3A_14 = %scan3A_3 to %scan3A_5 step %scan3A_6  : i32 {
      %mul3A_15 = arith.constant 16 : i32
      %mul3A_16 = arith.muli %scan3A_14, %mul3A_15 : i32
      %add3A_17 = arith.constant 0 : i32
      %add3A_18 = arith.addi %mul3A_16, %add3A_17 : i32
      %dma_start3A = arith.constant 0 : i32
      %dma_start3A_19 = tpu.memref_slice %arg6[%add3A_18, %dma_start3A] : memref<64x128xf32, #tpu.memory_space<vmem>> -> memref<1x128xf32, #tpu.memory_space<vmem>>
      %dma_start3A_20 = tpu.memref_squeeze %dma_start3A_19 : memref<1x128xf32, #tpu.memory_space<vmem>> -> memref<128xf32, #tpu.memory_space<vmem>>
      %dma_start3A_21 = arith.constant 0 : i32
      %dma_start3A_22 = tpu.memref_slice %arg5[%add3A_18, %dma_start3A_21] : memref<64x128xi32, #tpu.memory_space<vmem>> -> memref<1x128xi32, #tpu.memory_space<vmem>>
      %dma_start3A_23 = tpu.memref_squeeze %dma_start3A_22 : memref<1x128xi32, #tpu.memory_space<vmem>> -> memref<128xi32, #tpu.memory_space<vmem>>
      %dma_start3A_24 = arith.constant 0 : i32
      %dma_start3A_25 = tpu.memref_slice %arg3[%dma_start3A_24] : memref<1601536xf32, #tpu.memory_space<hbm>> -> memref<1601536xf32, #tpu.memory_space<hbm>>
      tpu.enqueue_indirect_dma source(%dma_start3A_25 : memref<1601536xf32, #tpu.memory_space<hbm>>) target(%dma_start3A_20 : memref<128xf32, #tpu.memory_space<vmem>>) offsets(%dma_start3A_23 : memref<128xi32, #tpu.memory_space<vmem>>) semaphore(%arg7 : memref<!tpu.dma_semaphore, #tpu.memory_space<semaphore_mem>>)
      %mul3A_26 = arith.constant 16 : i32
      %mul3A_27 = arith.muli %scan3A_14, %mul3A_26 : i32
      %add3A_28 = arith.constant 1 : i32
      %add3A_29 = arith.addi %mul3A_27, %add3A_28 : i32
      %dma_start3A_30 = arith.constant 0 : i32
      %dma_start3A_31 = tpu.memref_slice %arg6[%add3A_29, %dma_start3A_30] : memref<64x128xf32, #tpu.memory_space<vmem>> -> memref<1x128xf32, #tpu.memory_space<vmem>>
      %dma_start3A_32 = tpu.memref_squeeze %dma_start3A_31 : memref<1x128xf32, #tpu.memory_space<vmem>> -> memref<128xf32, #tpu.memory_space<vmem>>
      %dma_start3A_33 = arith.constant 0 : i32
      %dma_start3A_34 = tpu.memref_slice %arg5[%add3A_29, %dma_start3A_33] : memref<64x128xi32, #tpu.memory_space<vmem>> -> memref<1x128xi32, #tpu.memory_space<vmem>>
      %dma_start3A_35 = tpu.memref_squeeze %dma_start3A_34 : memref<1x128xi32, #tpu.memory_space<vmem>> -> memref<128xi32, #tpu.memory_space<vmem>>
      %dma_start3A_36 = arith.constant 0 : i32
      %dma_start3A_37 = tpu.memref_slice %arg3[%dma_start3A_36] : memref<1601536xf32, #tpu.memory_space<hbm>> -> memref<1601536xf32, #tpu.memory_space<hbm>>
      tpu.enqueue_indirect_dma source(%dma_start3A_37 : memref<1601536xf32, #tpu.memory_space<hbm>>) target(%dma_start3A_32 : memref<128xf32, #tpu.memory_space<vmem>>) offsets(%dma_start3A_35 : memref<128xi32, #tpu.memory_space<vmem>>) semaphore(%arg7 : memref<!tpu.dma_semaphore, #tpu.memory_space<semaphore_mem>>)
      %mul3A_38 = arith.constant 16 : i32
      %mul3A_39 = arith.muli %scan3A_14, %mul3A_38 : i32
      %add3A_40 = arith.constant 2 : i32
      %add3A_41 = arith.addi %mul3A_39, %add3A_40 : i32
      %dma_start3A_42 = arith.constant 0 : i32
      %dma_start3A_43 = tpu.memref_slice %arg6[%add3A_41, %dma_start3A_42] : memref<64x128xf32, #tpu.memory_space<vmem>> -> memref<1x128xf32, #tpu.memory_space<vmem>>
      %dma_start3A_44 = tpu.memref_squeeze %dma_start3A_43 : memref<1x128xf32, #tpu.memory_space<vmem>> -> memref<128xf32, #tpu.memory_space<vmem>>
      %dma_start3A_45 = arith.constant 0 : i32
      %dma_start3A_46 = tpu.memref_slice %arg5[%add3A_41, %dma_start3A_45] : memref<64x128xi32, #tpu.memory_space<vmem>> -> memref<1x128xi32, #tpu.memory_space<vmem>>
      %dma_start3A_47 = tpu.memref_squeeze %dma_start3A_46 : memref<1x128xi32, #tpu.memory_space<vmem>> -> memref<128xi32, #tpu.memory_space<vmem>>
      %dma_start3A_48 = arith.constant 0 : i32
      %dma_start3A_49 = tpu.memref_slice %arg3[%dma_start3A_48] : memref<1601536xf32, #tpu.memory_space<hbm>> -> memref<1601536xf32, #tpu.memory_space<hbm>>
      tpu.enqueue_indirect_dma source(%dma_start3A_49 : memref<1601536xf32, #tpu.memory_space<hbm>>) target(%dma_start3A_44 : memref<128xf32, #tpu.memory_space<vmem>>) offsets(%dma_start3A_47 : memref<128xi32, #tpu.memory_space<vmem>>) semaphore(%arg7 : memref<!tpu.dma_semaphore, #tpu.memory_space<semaphore_mem>>)
      %mul3A_50 = arith.constant 16 : i32
      %mul3A_51 = arith.muli %scan3A_14, %mul3A_50 : i32
      %add3A_52 = arith.constant 3 : i32
      %add3A_53 = arith.addi %mul3A_51, %add3A_52 : i32
      %dma_start3A_54 = arith.constant 0 : i32
      %dma_start3A_55 = tpu.memref_slice %arg6[%add3A_53, %dma_start3A_54] : memref<64x128xf32, #tpu.memory_space<vmem>> -> memref<1x128xf32, #tpu.memory_space<vmem>>
      %dma_start3A_56 = tpu.memref_squeeze %dma_start3A_55 : memref<1x128xf32, #tpu.memory_space<vmem>> -> memref<128xf32, #tpu.memory_space<vmem>>
      %dma_start3A_57 = arith.constant 0 : i32
      %dma_start3A_58 = tpu.memref_slice %arg5[%add3A_53, %dma_start3A_57] : memref<64x128xi32, #tpu.memory_space<vmem>> -> memref<1x128xi32, #tpu.memory_space<vmem>>
      %dma_start3A_59 = tpu.memref_squeeze %dma_start3A_58 : memref<1x128xi32, #tpu.memory_space<vmem>> -> memref<128xi32, #tpu.memory_space<vmem>>
      %dma_start3A_60 = arith.constant 0 : i32
      %dma_start3A_61 = tpu.memref_slice %arg3[%dma_start3A_60] : memref<1601536xf32, #tpu.memory_space<hbm>> -> memref<1601536xf32, #tpu.memory_space<hbm>>
      tpu.enqueue_indirect_dma source(%dma_start3A_61 : memref<1601536xf32, #tpu.memory_space<hbm>>) target(%dma_start3A_56 : memref<128xf32, #tpu.memory_space<vmem>>) offsets(%dma_start3A_59 : memref<128xi32, #tpu.memory_space<vmem>>) semaphore(%arg7 : memref<!tpu.dma_semaphore, #tpu.memory_space<semaphore_mem>>)
      %mul3A_62 = arith.constant 16 : i32
      %mul3A_63 = arith.muli %scan3A_14, %mul3A_62 : i32
      %add3A_64 = arith.constant 4 : i32
      %add3A_65 = arith.addi %mul3A_63, %add3A_64 : i32
      %dma_start3A_66 = arith.constant 0 : i32
      %dma_start3A_67 = tpu.memref_slice %arg6[%add3A_65, %dma_start3A_66] : memref<64x128xf32, #tpu.memory_space<vmem>> -> memref<1x128xf32, #tpu.memory_space<vmem>>
      %dma_start3A_68 = tpu.memref_squeeze %dma_start3A_67 : memref<1x128xf32, #tpu.memory_space<vmem>> -> memref<128xf32, #tpu.memory_space<vmem>>
      %dma_start3A_69 = arith.constant 0 : i32
      %dma_start3A_70 = tpu.memref_slice %arg5[%add3A_65, %dma_start3A_69] : memref<64x128xi32, #tpu.memory_space<vmem>> -> memref<1x128xi32, #tpu.memory_space<vmem>>
      %dma_start3A_71 = tpu.memref_squeeze %dma_start3A_70 : memref<1x128xi32, #tpu.memory_space<vmem>> -> memref<128xi32, #tpu.memory_space<vmem>>
      %dma_start3A_72 = arith.constant 0 : i32
      %dma_start3A_73 = tpu.memref_slice %arg3[%dma_start3A_72] : memref<1601536xf32, #tpu.memory_space<hbm>> -> memref<1601536xf32, #tpu.memory_space<hbm>>
      tpu.enqueue_indirect_dma source(%dma_start3A_73 : memref<1601536xf32, #tpu.memory_space<hbm>>) target(%dma_start3A_68 : memref<128xf32, #tpu.memory_space<vmem>>) offsets(%dma_start3A_71 : memref<128xi32, #tpu.memory_space<vmem>>) semaphore(%arg7 : memref<!tpu.dma_semaphore, #tpu.memory_space<semaphore_mem>>)
      %mul3A_74 = arith.constant 16 : i32
      %mul3A_75 = arith.muli %scan3A_14, %mul3A_74 : i32
      %add3A_76 = arith.constant 5 : i32
      %add3A_77 = arith.addi %mul3A_75, %add3A_76 : i32
      %dma_start3A_78 = arith.constant 0 : i32
      %dma_start3A_79 = tpu.memref_slice %arg6[%add3A_77, %dma_start3A_78] : memref<64x128xf32, #tpu.memory_space<vmem>> -> memref<1x128xf32, #tpu.memory_space<vmem>>
      %dma_start3A_80 = tpu.memref_squeeze %dma_start3A_79 : memref<1x128xf32, #tpu.memory_space<vmem>> -> memref<128xf32, #tpu.memory_space<vmem>>
      %dma_start3A_81 = arith.constant 0 : i32
      %dma_start3A_82 = tpu.memref_slice %arg5[%add3A_77, %dma_start3A_81] : memref<64x128xi32, #tpu.memory_space<vmem>> -> memref<1x128xi32, #tpu.memory_space<vmem>>
      %dma_start3A_83 = tpu.memref_squeeze %dma_start3A_82 : memref<1x128xi32, #tpu.memory_space<vmem>> -> memref<128xi32, #tpu.memory_space<vmem>>
      %dma_start3A_84 = arith.constant 0 : i32
      %dma_start3A_85 = tpu.memref_slice %arg3[%dma_start3A_84] : memref<1601536xf32, #tpu.memory_space<hbm>> -> memref<1601536xf32, #tpu.memory_space<hbm>>
      tpu.enqueue_indirect_dma source(%dma_start3A_85 : memref<1601536xf32, #tpu.memory_space<hbm>>) target(%dma_start3A_80 : memref<128xf32, #tpu.memory_space<vmem>>) offsets(%dma_start3A_83 : memref<128xi32, #tpu.memory_space<vmem>>) semaphore(%arg7 : memref<!tpu.dma_semaphore, #tpu.memory_space<semaphore_mem>>)
      %mul3A_86 = arith.constant 16 : i32
      %mul3A_87 = arith.muli %scan3A_14, %mul3A_86 : i32
      %add3A_88 = arith.constant 6 : i32
      %add3A_89 = arith.addi %mul3A_87, %add3A_88 : i32
      %dma_start3A_90 = arith.constant 0 : i32
      %dma_start3A_91 = tpu.memref_slice %arg6[%add3A_89, %dma_start3A_90] : memref<64x128xf32, #tpu.memory_space<vmem>> -> memref<1x128xf32, #tpu.memory_space<vmem>>
      %dma_start3A_92 = tpu.memref_squeeze %dma_start3A_91 : memref<1x128xf32, #tpu.memory_space<vmem>> -> memref<128xf32, #tpu.memory_space<vmem>>
      %dma_start3A_93 = arith.constant 0 : i32
      %dma_start3A_94 = tpu.memref_slice %arg5[%add3A_89, %dma_start3A_93] : memref<64x128xi32, #tpu.memory_space<vmem>> -> memref<1x128xi32, #tpu.memory_space<vmem>>
      %dma_start3A_95 = tpu.memref_squeeze %dma_start3A_94 : memref<1x128xi32, #tpu.memory_space<vmem>> -> memref<128xi32, #tpu.memory_space<vmem>>
      %dma_start3A_96 = arith.constant 0 : i32
      %dma_start3A_97 = tpu.memref_slice %arg3[%dma_start3A_96] : memref<1601536xf32, #tpu.memory_space<hbm>> -> memref<1601536xf32, #tpu.memory_space<hbm>>
      tpu.enqueue_indirect_dma source(%dma_start3A_97 : memref<1601536xf32, #tpu.memory_space<hbm>>) target(%dma_start3A_92 : memref<128xf32, #tpu.memory_space<vmem>>) offsets(%dma_start3A_95 : memref<128xi32, #tpu.memory_space<vmem>>) semaphore(%arg7 : memref<!tpu.dma_semaphore, #tpu.memory_space<semaphore_mem>>)
      %mul3A_98 = arith.constant 16 : i32
      %mul3A_99 = arith.muli %scan3A_14, %mul3A_98 : i32
      %add3A_100 = arith.constant 7 : i32
      %add3A_101 = arith.addi %mul3A_99, %add3A_100 : i32
      %dma_start3A_102 = arith.constant 0 : i32
      %dma_start3A_103 = tpu.memref_slice %arg6[%add3A_101, %dma_start3A_102] : memref<64x128xf32, #tpu.memory_space<vmem>> -> memref<1x128xf32, #tpu.memory_space<vmem>>
      %dma_start3A_104 = tpu.memref_squeeze %dma_start3A_103 : memref<1x128xf32, #tpu.memory_space<vmem>> -> memref<128xf32, #tpu.memory_space<vmem>>
      %dma_start3A_105 = arith.constant 0 : i32
      %dma_start3A_106 = tpu.memref_slice %arg5[%add3A_101, %dma_start3A_105] : memref<64x128xi32, #tpu.memory_space<vmem>> -> memref<1x128xi32, #tpu.memory_space<vmem>>
      %dma_start3A_107 = tpu.memref_squeeze %dma_start3A_106 : memref<1x128xi32, #tpu.memory_space<vmem>> -> memref<128xi32, #tpu.memory_space<vmem>>
      %dma_start3A_108 = arith.constant 0 : i32
      %dma_start3A_109 = tpu.memref_slice %arg3[%dma_start3A_108] : memref<1601536xf32, #tpu.memory_space<hbm>> -> memref<1601536xf32, #tpu.memory_space<hbm>>
      tpu.enqueue_indirect_dma source(%dma_start3A_109 : memref<1601536xf32, #tpu.memory_space<hbm>>) target(%dma_start3A_104 : memref<128xf32, #tpu.memory_space<vmem>>) offsets(%dma_start3A_107 : memref<128xi32, #tpu.memory_space<vmem>>) semaphore(%arg7 : memref<!tpu.dma_semaphore, #tpu.memory_space<semaphore_mem>>)
      %mul3A_110 = arith.constant 16 : i32
      %mul3A_111 = arith.muli %scan3A_14, %mul3A_110 : i32
      %add3A_112 = arith.constant 8 : i32
      %add3A_113 = arith.addi %mul3A_111, %add3A_112 : i32
      %dma_start3A_114 = arith.constant 0 : i32
      %dma_start3A_115 = tpu.memref_slice %arg6[%add3A_113, %dma_start3A_114] : memref<64x128xf32, #tpu.memory_space<vmem>> -> memref<1x128xf32, #tpu.memory_space<vmem>>
      %dma_start3A_116 = tpu.memref_squeeze %dma_start3A_115 : memref<1x128xf32, #tpu.memory_space<vmem>> -> memref<128xf32, #tpu.memory_space<vmem>>
      %dma_start3A_117 = arith.constant 0 : i32
      %dma_start3A_118 = tpu.memref_slice %arg5[%add3A_113, %dma_start3A_117] : memref<64x128xi32, #tpu.memory_space<vmem>> -> memref<1x128xi32, #tpu.memory_space<vmem>>
      %dma_start3A_119 = tpu.memref_squeeze %dma_start3A_118 : memref<1x128xi32, #tpu.memory_space<vmem>> -> memref<128xi32, #tpu.memory_space<vmem>>
      %dma_start3A_120 = arith.constant 0 : i32
      %dma_start3A_121 = tpu.memref_slice %arg3[%dma_start3A_120] : memref<1601536xf32, #tpu.memory_space<hbm>> -> memref<1601536xf32, #tpu.memory_space<hbm>>
      tpu.enqueue_indirect_dma source(%dma_start3A_121 : memref<1601536xf32, #tpu.memory_space<hbm>>) target(%dma_start3A_116 : memref<128xf32, #tpu.memory_space<vmem>>) offsets(%dma_start3A_119 : memref<128xi32, #tpu.memory_space<vmem>>) semaphore(%arg7 : memref<!tpu.dma_semaphore, #tpu.memory_space<semaphore_mem>>)
      %mul3A_122 = arith.constant 16 : i32
      %mul3A_123 = arith.muli %scan3A_14, %mul3A_122 : i32
      %add3A_124 = arith.constant 9 : i32
      %add3A_125 = arith.addi %mul3A_123, %add3A_124 : i32
      %dma_start3A_126 = arith.constant 0 : i32
      %dma_start3A_127 = tpu.memref_slice %arg6[%add3A_125, %dma_start3A_126] : memref<64x128xf32, #tpu.memory_space<vmem>> -> memref<1x128xf32, #tpu.memory_space<vmem>>
      %dma_start3A_128 = tpu.memref_squeeze %dma_start3A_127 : memref<1x128xf32, #tpu.memory_space<vmem>> -> memref<128xf32, #tpu.memory_space<vmem>>
      %dma_start3A_129 = arith.constant 0 : i32
      %dma_start3A_130 = tpu.memref_slice %arg5[%add3A_125, %dma_start3A_129] : memref<64x128xi32, #tpu.memory_space<vmem>> -> memref<1x128xi32, #tpu.memory_space<vmem>>
      %dma_start3A_131 = tpu.memref_squeeze %dma_start3A_130 : memref<1x128xi32, #tpu.memory_space<vmem>> -> memref<128xi32, #tpu.memory_space<vmem>>
      %dma_start3A_132 = arith.constant 0 : i32
      %dma_start3A_133 = tpu.memref_slice %arg3[%dma_start3A_132] : memref<1601536xf32, #tpu.memory_space<hbm>> -> memref<1601536xf32, #tpu.memory_space<hbm>>
      tpu.enqueue_indirect_dma source(%dma_start3A_133 : memref<1601536xf32, #tpu.memory_space<hbm>>) target(%dma_start3A_128 : memref<128xf32, #tpu.memory_space<vmem>>) offsets(%dma_start3A_131 : memref<128xi32, #tpu.memory_space<vmem>>) semaphore(%arg7 : memref<!tpu.dma_semaphore, #tpu.memory_space<semaphore_mem>>)
      %mul3A_134 = arith.constant 16 : i32
      %mul3A_135 = arith.muli %scan3A_14, %mul3A_134 : i32
      %add3A_136 = arith.constant 10 : i32
      %add3A_137 = arith.addi %mul3A_135, %add3A_136 : i32
      %dma_start3A_138 = arith.constant 0 : i32
      %dma_start3A_139 = tpu.memref_slice %arg6[%add3A_137, %dma_start3A_138] : memref<64x128xf32, #tpu.memory_space<vmem>> -> memref<1x128xf32, #tpu.memory_space<vmem>>
      %dma_start3A_140 = tpu.memref_squeeze %dma_start3A_139 : memref<1x128xf32, #tpu.memory_space<vmem>> -> memref<128xf32, #tpu.memory_space<vmem>>
      %dma_start3A_141 = arith.constant 0 : i32
      %dma_start3A_142 = tpu.memref_slice %arg5[%add3A_137, %dma_start3A_141] : memref<64x128xi32, #tpu.memory_space<vmem>> -> memref<1x128xi32, #tpu.memory_space<vmem>>
      %dma_start3A_143 = tpu.memref_squeeze %dma_start3A_142 : memref<1x128xi32, #tpu.memory_space<vmem>> -> memref<128xi32, #tpu.memory_space<vmem>>
      %dma_start3A_144 = arith.constant 0 : i32
      %dma_start3A_145 = tpu.memref_slice %arg3[%dma_start3A_144] : memref<1601536xf32, #tpu.memory_space<hbm>> -> memref<1601536xf32, #tpu.memory_space<hbm>>
      tpu.enqueue_indirect_dma source(%dma_start3A_145 : memref<1601536xf32, #tpu.memory_space<hbm>>) target(%dma_start3A_140 : memref<128xf32, #tpu.memory_space<vmem>>) offsets(%dma_start3A_143 : memref<128xi32, #tpu.memory_space<vmem>>) semaphore(%arg7 : memref<!tpu.dma_semaphore, #tpu.memory_space<semaphore_mem>>)
      %mul3A_146 = arith.constant 16 : i32
      %mul3A_147 = arith.muli %scan3A_14, %mul3A_146 : i32
      %add3A_148 = arith.constant 11 : i32
      %add3A_149 = arith.addi %mul3A_147, %add3A_148 : i32
      %dma_start3A_150 = arith.constant 0 : i32
      %dma_start3A_151 = tpu.memref_slice %arg6[%add3A_149, %dma_start3A_150] : memref<64x128xf32, #tpu.memory_space<vmem>> -> memref<1x128xf32, #tpu.memory_space<vmem>>
      %dma_start3A_152 = tpu.memref_squeeze %dma_start3A_151 : memref<1x128xf32, #tpu.memory_space<vmem>> -> memref<128xf32, #tpu.memory_space<vmem>>
      %dma_start3A_153 = arith.constant 0 : i32
      %dma_start3A_154 = tpu.memref_slice %arg5[%add3A_149, %dma_start3A_153] : memref<64x128xi32, #tpu.memory_space<vmem>> -> memref<1x128xi32, #tpu.memory_space<vmem>>
      %dma_start3A_155 = tpu.memref_squeeze %dma_start3A_154 : memref<1x128xi32, #tpu.memory_space<vmem>> -> memref<128xi32, #tpu.memory_space<vmem>>
      %dma_start3A_156 = arith.constant 0 : i32
      %dma_start3A_157 = tpu.memref_slice %arg3[%dma_start3A_156] : memref<1601536xf32, #tpu.memory_space<hbm>> -> memref<1601536xf32, #tpu.memory_space<hbm>>
      tpu.enqueue_indirect_dma source(%dma_start3A_157 : memref<1601536xf32, #tpu.memory_space<hbm>>) target(%dma_start3A_152 : memref<128xf32, #tpu.memory_space<vmem>>) offsets(%dma_start3A_155 : memref<128xi32, #tpu.memory_space<vmem>>) semaphore(%arg7 : memref<!tpu.dma_semaphore, #tpu.memory_space<semaphore_mem>>)
      %mul3A_158 = arith.constant 16 : i32
      %mul3A_159 = arith.muli %scan3A_14, %mul3A_158 : i32
      %add3A_160 = arith.constant 12 : i32
      %add3A_161 = arith.addi %mul3A_159, %add3A_160 : i32
      %dma_start3A_162 = arith.constant 0 : i32
      %dma_start3A_163 = tpu.memref_slice %arg6[%add3A_161, %dma_start3A_162] : memref<64x128xf32, #tpu.memory_space<vmem>> -> memref<1x128xf32, #tpu.memory_space<vmem>>
      %dma_start3A_164 = tpu.memref_squeeze %dma_start3A_163 : memref<1x128xf32, #tpu.memory_space<vmem>> -> memref<128xf32, #tpu.memory_space<vmem>>
      %dma_start3A_165 = arith.constant 0 : i32
      %dma_start3A_166 = tpu.memref_slice %arg5[%add3A_161, %dma_start3A_165] : memref<64x128xi32, #tpu.memory_space<vmem>> -> memref<1x128xi32, #tpu.memory_space<vmem>>
      %dma_start3A_167 = tpu.memref_squeeze %dma_start3A_166 : memref<1x128xi32, #tpu.memory_space<vmem>> -> memref<128xi32, #tpu.memory_space<vmem>>
      %dma_start3A_168 = arith.constant 0 : i32
      %dma_start3A_169 = tpu.memref_slice %arg3[%dma_start3A_168] : memref<1601536xf32, #tpu.memory_space<hbm>> -> memref<1601536xf32, #tpu.memory_space<hbm>>
      tpu.enqueue_indirect_dma source(%dma_start3A_169 : memref<1601536xf32, #tpu.memory_space<hbm>>) target(%dma_start3A_164 : memref<128xf32, #tpu.memory_space<vmem>>) offsets(%dma_start3A_167 : memref<128xi32, #tpu.memory_space<vmem>>) semaphore(%arg7 : memref<!tpu.dma_semaphore, #tpu.memory_space<semaphore_mem>>)
      %mul3A_170 = arith.constant 16 : i32
      %mul3A_171 = arith.muli %scan3A_14, %mul3A_170 : i32
      %add3A_172 = arith.constant 13 : i32
      %add3A_173 = arith.addi %mul3A_171, %add3A_172 : i32
      %dma_start3A_174 = arith.constant 0 : i32
      %dma_start3A_175 = tpu.memref_slice %arg6[%add3A_173, %dma_start3A_174] : memref<64x128xf32, #tpu.memory_space<vmem>> -> memref<1x128xf32, #tpu.memory_space<vmem>>
      %dma_start3A_176 = tpu.memref_squeeze %dma_start3A_175 : memref<1x128xf32, #tpu.memory_space<vmem>> -> memref<128xf32, #tpu.memory_space<vmem>>
      %dma_start3A_177 = arith.constant 0 : i32
      %dma_start3A_178 = tpu.memref_slice %arg5[%add3A_173, %dma_start3A_177] : memref<64x128xi32, #tpu.memory_space<vmem>> -> memref<1x128xi32, #tpu.memory_space<vmem>>
      %dma_start3A_179 = tpu.memref_squeeze %dma_start3A_178 : memref<1x128xi32, #tpu.memory_space<vmem>> -> memref<128xi32, #tpu.memory_space<vmem>>
      %dma_start3A_180 = arith.constant 0 : i32
      %dma_start3A_181 = tpu.memref_slice %arg3[%dma_start3A_180] : memref<1601536xf32, #tpu.memory_space<hbm>> -> memref<1601536xf32, #tpu.memory_space<hbm>>
      tpu.enqueue_indirect_dma source(%dma_start3A_181 : memref<1601536xf32, #tpu.memory_space<hbm>>) target(%dma_start3A_176 : memref<128xf32, #tpu.memory_space<vmem>>) offsets(%dma_start3A_179 : memref<128xi32, #tpu.memory_space<vmem>>) semaphore(%arg7 : memref<!tpu.dma_semaphore, #tpu.memory_space<semaphore_mem>>)
      %mul3A_182 = arith.constant 16 : i32
      %mul3A_183 = arith.muli %scan3A_14, %mul3A_182 : i32
      %add3A_184 = arith.constant 14 : i32
      %add3A_185 = arith.addi %mul3A_183, %add3A_184 : i32
      %dma_start3A_186 = arith.constant 0 : i32
      %dma_start3A_187 = tpu.memref_slice %arg6[%add3A_185, %dma_start3A_186] : memref<64x128xf32, #tpu.memory_space<vmem>> -> memref<1x128xf32, #tpu.memory_space<vmem>>
      %dma_start3A_188 = tpu.memref_squeeze %dma_start3A_187 : memref<1x128xf32, #tpu.memory_space<vmem>> -> memref<128xf32, #tpu.memory_space<vmem>>
      %dma_start3A_189 = arith.constant 0 : i32
      %dma_start3A_190 = tpu.memref_slice %arg5[%add3A_185, %dma_start3A_189] : memref<64x128xi32, #tpu.memory_space<vmem>> -> memref<1x128xi32, #tpu.memory_space<vmem>>
      %dma_start3A_191 = tpu.memref_squeeze %dma_start3A_190 : memref<1x128xi32, #tpu.memory_space<vmem>> -> memref<128xi32, #tpu.memory_space<vmem>>
      %dma_start3A_192 = arith.constant 0 : i32
      %dma_start3A_193 = tpu.memref_slice %arg3[%dma_start3A_192] : memref<1601536xf32, #tpu.memory_space<hbm>> -> memref<1601536xf32, #tpu.memory_space<hbm>>
      tpu.enqueue_indirect_dma source(%dma_start3A_193 : memref<1601536xf32, #tpu.memory_space<hbm>>) target(%dma_start3A_188 : memref<128xf32, #tpu.memory_space<vmem>>) offsets(%dma_start3A_191 : memref<128xi32, #tpu.memory_space<vmem>>) semaphore(%arg7 : memref<!tpu.dma_semaphore, #tpu.memory_space<semaphore_mem>>)
      %mul3A_194 = arith.constant 16 : i32
      %mul3A_195 = arith.muli %scan3A_14, %mul3A_194 : i32
      %add3A_196 = arith.constant 15 : i32
      %add3A_197 = arith.addi %mul3A_195, %add3A_196 : i32
      %dma_start3A_198 = arith.constant 0 : i32
      %dma_start3A_199 = tpu.memref_slice %arg6[%add3A_197, %dma_start3A_198] : memref<64x128xf32, #tpu.memory_space<vmem>> -> memref<1x128xf32, #tpu.memory_space<vmem>>
      %dma_start3A_200 = tpu.memref_squeeze %dma_start3A_199 : memref<1x128xf32, #tpu.memory_space<vmem>> -> memref<128xf32, #tpu.memory_space<vmem>>
      %dma_start3A_201 = arith.constant 0 : i32
      %dma_start3A_202 = tpu.memref_slice %arg5[%add3A_197, %dma_start3A_201] : memref<64x128xi32, #tpu.memory_space<vmem>> -> memref<1x128xi32, #tpu.memory_space<vmem>>
      %dma_start3A_203 = tpu.memref_squeeze %dma_start3A_202 : memref<1x128xi32, #tpu.memory_space<vmem>> -> memref<128xi32, #tpu.memory_space<vmem>>
      %dma_start3A_204 = arith.constant 0 : i32
      %dma_start3A_205 = tpu.memref_slice %arg3[%dma_start3A_204] : memref<1601536xf32, #tpu.memory_space<hbm>> -> memref<1601536xf32, #tpu.memory_space<hbm>>
      tpu.enqueue_indirect_dma source(%dma_start3A_205 : memref<1601536xf32, #tpu.memory_space<hbm>>) target(%dma_start3A_200 : memref<128xf32, #tpu.memory_space<vmem>>) offsets(%dma_start3A_203 : memref<128xi32, #tpu.memory_space<vmem>>) semaphore(%arg7 : memref<!tpu.dma_semaphore, #tpu.memory_space<semaphore_mem>>)
    }
    %scan3A_7 = arith.constant 4 : i32
    %scan3A_8 = arith.constant 0 : i32
    %scan3A_9 = arith.constant 0 : i32
    %scan3A_10 = arith.constant 4 : i32
    %scan3A_11 = arith.addi %scan3A_9, %scan3A_10 : i32
    %scan3A_12 = arith.constant 1 : i32
    scf.for %scan3A_14 = %scan3A_9 to %scan3A_11 step %scan3A_12  : i32 {
      %mul3A_15 = arith.constant 16 : i32
      %mul3A_16 = arith.muli %scan3A_14, %mul3A_15 : i32
      %add3A_17 = arith.constant 0 : i32
      %add3A_18 = arith.addi %mul3A_16, %add3A_17 : i32
      %dma_wait3A = arith.constant 0 : i32
      %dma_wait3A_19 = tpu.memref_slice %arg6[%add3A_18, %dma_wait3A] : memref<64x128xf32, #tpu.memory_space<vmem>> -> memref<1x128xf32, #tpu.memory_space<vmem>>
      %dma_wait3A_20 = tpu.memref_squeeze %dma_wait3A_19 : memref<1x128xf32, #tpu.memory_space<vmem>> -> memref<128xf32, #tpu.memory_space<vmem>>
      %dma_wait3A_21 = arith.constant 0 : i32
      %dma_wait3A_22 = tpu.memref_slice %arg5[%add3A_18, %dma_wait3A_21] : memref<64x128xi32, #tpu.memory_space<vmem>> -> memref<1x128xi32, #tpu.memory_space<vmem>>
      %dma_wait3A_23 = tpu.memref_squeeze %dma_wait3A_22 : memref<1x128xi32, #tpu.memory_space<vmem>> -> memref<128xi32, #tpu.memory_space<vmem>>
      %dma_wait3A_24 = arith.constant 0 : i32
      %dma_wait3A_25 = tpu.memref_slice %arg3[%dma_wait3A_24] : memref<1601536xf32, #tpu.memory_space<hbm>> -> memref<1601536xf32, #tpu.memory_space<hbm>>
      tpu.wait_indirect_dma semaphore(%arg7 : memref<!tpu.dma_semaphore, #tpu.memory_space<semaphore_mem>>) src(%dma_wait3A_25 : memref<1601536xf32, #tpu.memory_space<hbm>>) dst(%dma_wait3A_20 : memref<128xf32, #tpu.memory_space<vmem>>)
      %mul3A_26 = arith.constant 16 : i32
      %mul3A_27 = arith.muli %scan3A_14, %mul3A_26 : i32
      %add3A_28 = arith.constant 1 : i32
      %add3A_29 = arith.addi %mul3A_27, %add3A_28 : i32
      %dma_wait3A_30 = arith.constant 0 : i32
      %dma_wait3A_31 = tpu.memref_slice %arg6[%add3A_29, %dma_wait3A_30] : memref<64x128xf32, #tpu.memory_space<vmem>> -> memref<1x128xf32, #tpu.memory_space<vmem>>
      %dma_wait3A_32 = tpu.memref_squeeze %dma_wait3A_31 : memref<1x128xf32, #tpu.memory_space<vmem>> -> memref<128xf32, #tpu.memory_space<vmem>>
      %dma_wait3A_33 = arith.constant 0 : i32
      %dma_wait3A_34 = tpu.memref_slice %arg5[%add3A_29, %dma_wait3A_33] : memref<64x128xi32, #tpu.memory_space<vmem>> -> memref<1x128xi32, #tpu.memory_space<vmem>>
      %dma_wait3A_35 = tpu.memref_squeeze %dma_wait3A_34 : memref<1x128xi32, #tpu.memory_space<vmem>> -> memref<128xi32, #tpu.memory_space<vmem>>
      %dma_wait3A_36 = arith.constant 0 : i32
      %dma_wait3A_37 = tpu.memref_slice %arg3[%dma_wait3A_36] : memref<1601536xf32, #tpu.memory_space<hbm>> -> memref<1601536xf32, #tpu.memory_space<hbm>>
      tpu.wait_indirect_dma semaphore(%arg7 : memref<!tpu.dma_semaphore, #tpu.memory_space<semaphore_mem>>) src(%dma_wait3A_37 : memref<1601536xf32, #tpu.memory_space<hbm>>) dst(%dma_wait3A_32 : memref<128xf32, #tpu.memory_space<vmem>>)
      %mul3A_38 = arith.constant 16 : i32
      %mul3A_39 = arith.muli %scan3A_14, %mul3A_38 : i32
      %add3A_40 = arith.constant 2 : i32
      %add3A_41 = arith.addi %mul3A_39, %add3A_40 : i32
      %dma_wait3A_42 = arith.constant 0 : i32
      %dma_wait3A_43 = tpu.memref_slice %arg6[%add3A_41, %dma_wait3A_42] : memref<64x128xf32, #tpu.memory_space<vmem>> -> memref<1x128xf32, #tpu.memory_space<vmem>>
      %dma_wait3A_44 = tpu.memref_squeeze %dma_wait3A_43 : memref<1x128xf32, #tpu.memory_space<vmem>> -> memref<128xf32, #tpu.memory_space<vmem>>
      %dma_wait3A_45 = arith.constant 0 : i32
      %dma_wait3A_46 = tpu.memref_slice %arg5[%add3A_41, %dma_wait3A_45] : memref<64x128xi32, #tpu.memory_space<vmem>> -> memref<1x128xi32, #tpu.memory_space<vmem>>
      %dma_wait3A_47 = tpu.memref_squeeze %dma_wait3A_46 : memref<1x128xi32, #tpu.memory_space<vmem>> -> memref<128xi32, #tpu.memory_space<vmem>>
      %dma_wait3A_48 = arith.constant 0 : i32
      %dma_wait3A_49 = tpu.memref_slice %arg3[%dma_wait3A_48] : memref<1601536xf32, #tpu.memory_space<hbm>> -> memref<1601536xf32, #tpu.memory_space<hbm>>
      tpu.wait_indirect_dma semaphore(%arg7 : memref<!tpu.dma_semaphore, #tpu.memory_space<semaphore_mem>>) src(%dma_wait3A_49 : memref<1601536xf32, #tpu.memory_space<hbm>>) dst(%dma_wait3A_44 : memref<128xf32, #tpu.memory_space<vmem>>)
      %mul3A_50 = arith.constant 16 : i32
      %mul3A_51 = arith.muli %scan3A_14, %mul3A_50 : i32
      %add3A_52 = arith.constant 3 : i32
      %add3A_53 = arith.addi %mul3A_51, %add3A_52 : i32
      %dma_wait3A_54 = arith.constant 0 : i32
      %dma_wait3A_55 = tpu.memref_slice %arg6[%add3A_53, %dma_wait3A_54] : memref<64x128xf32, #tpu.memory_space<vmem>> -> memref<1x128xf32, #tpu.memory_space<vmem>>
      %dma_wait3A_56 = tpu.memref_squeeze %dma_wait3A_55 : memref<1x128xf32, #tpu.memory_space<vmem>> -> memref<128xf32, #tpu.memory_space<vmem>>
      %dma_wait3A_57 = arith.constant 0 : i32
      %dma_wait3A_58 = tpu.memref_slice %arg5[%add3A_53, %dma_wait3A_57] : memref<64x128xi32, #tpu.memory_space<vmem>> -> memref<1x128xi32, #tpu.memory_space<vmem>>
      %dma_wait3A_59 = tpu.memref_squeeze %dma_wait3A_58 : memref<1x128xi32, #tpu.memory_space<vmem>> -> memref<128xi32, #tpu.memory_space<vmem>>
      %dma_wait3A_60 = arith.constant 0 : i32
      %dma_wait3A_61 = tpu.memref_slice %arg3[%dma_wait3A_60] : memref<1601536xf32, #tpu.memory_space<hbm>> -> memref<1601536xf32, #tpu.memory_space<hbm>>
      tpu.wait_indirect_dma semaphore(%arg7 : memref<!tpu.dma_semaphore, #tpu.memory_space<semaphore_mem>>) src(%dma_wait3A_61 : memref<1601536xf32, #tpu.memory_space<hbm>>) dst(%dma_wait3A_56 : memref<128xf32, #tpu.memory_space<vmem>>)
      %mul3A_62 = arith.constant 16 : i32
      %mul3A_63 = arith.muli %scan3A_14, %mul3A_62 : i32
      %add3A_64 = arith.constant 4 : i32
      %add3A_65 = arith.addi %mul3A_63, %add3A_64 : i32
      %dma_wait3A_66 = arith.constant 0 : i32
      %dma_wait3A_67 = tpu.memref_slice %arg6[%add3A_65, %dma_wait3A_66] : memref<64x128xf32, #tpu.memory_space<vmem>> -> memref<1x128xf32, #tpu.memory_space<vmem>>
      %dma_wait3A_68 = tpu.memref_squeeze %dma_wait3A_67 : memref<1x128xf32, #tpu.memory_space<vmem>> -> memref<128xf32, #tpu.memory_space<vmem>>
      %dma_wait3A_69 = arith.constant 0 : i32
      %dma_wait3A_70 = tpu.memref_slice %arg5[%add3A_65, %dma_wait3A_69] : memref<64x128xi32, #tpu.memory_space<vmem>> -> memref<1x128xi32, #tpu.memory_space<vmem>>
      %dma_wait3A_71 = tpu.memref_squeeze %dma_wait3A_70 : memref<1x128xi32, #tpu.memory_space<vmem>> -> memref<128xi32, #tpu.memory_space<vmem>>
      %dma_wait3A_72 = arith.constant 0 : i32
      %dma_wait3A_73 = tpu.memref_slice %arg3[%dma_wait3A_72] : memref<1601536xf32, #tpu.memory_space<hbm>> -> memref<1601536xf32, #tpu.memory_space<hbm>>
      tpu.wait_indirect_dma semaphore(%arg7 : memref<!tpu.dma_semaphore, #tpu.memory_space<semaphore_mem>>) src(%dma_wait3A_73 : memref<1601536xf32, #tpu.memory_space<hbm>>) dst(%dma_wait3A_68 : memref<128xf32, #tpu.memory_space<vmem>>)
      %mul3A_74 = arith.constant 16 : i32
      %mul3A_75 = arith.muli %scan3A_14, %mul3A_74 : i32
      %add3A_76 = arith.constant 5 : i32
      %add3A_77 = arith.addi %mul3A_75, %add3A_76 : i32
      %dma_wait3A_78 = arith.constant 0 : i32
      %dma_wait3A_79 = tpu.memref_slice %arg6[%add3A_77, %dma_wait3A_78] : memref<64x128xf32, #tpu.memory_space<vmem>> -> memref<1x128xf32, #tpu.memory_space<vmem>>
      %dma_wait3A_80 = tpu.memref_squeeze %dma_wait3A_79 : memref<1x128xf32, #tpu.memory_space<vmem>> -> memref<128xf32, #tpu.memory_space<vmem>>
      %dma_wait3A_81 = arith.constant 0 : i32
      %dma_wait3A_82 = tpu.memref_slice %arg5[%add3A_77, %dma_wait3A_81] : memref<64x128xi32, #tpu.memory_space<vmem>> -> memref<1x128xi32, #tpu.memory_space<vmem>>
      %dma_wait3A_83 = tpu.memref_squeeze %dma_wait3A_82 : memref<1x128xi32, #tpu.memory_space<vmem>> -> memref<128xi32, #tpu.memory_space<vmem>>
      %dma_wait3A_84 = arith.constant 0 : i32
      %dma_wait3A_85 = tpu.memref_slice %arg3[%dma_wait3A_84] : memref<1601536xf32, #tpu.memory_space<hbm>> -> memref<1601536xf32, #tpu.memory_space<hbm>>
      tpu.wait_indirect_dma semaphore(%arg7 : memref<!tpu.dma_semaphore, #tpu.memory_space<semaphore_mem>>) src(%dma_wait3A_85 : memref<1601536xf32, #tpu.memory_space<hbm>>) dst(%dma_wait3A_80 : memref<128xf32, #tpu.memory_space<vmem>>)
      %mul3A_86 = arith.constant 16 : i32
      %mul3A_87 = arith.muli %scan3A_14, %mul3A_86 : i32
      %add3A_88 = arith.constant 6 : i32
      %add3A_89 = arith.addi %mul3A_87, %add3A_88 : i32
      %dma_wait3A_90 = arith.constant 0 : i32
      %dma_wait3A_91 = tpu.memref_slice %arg6[%add3A_89, %dma_wait3A_90] : memref<64x128xf32, #tpu.memory_space<vmem>> -> memref<1x128xf32, #tpu.memory_space<vmem>>
      %dma_wait3A_92 = tpu.memref_squeeze %dma_wait3A_91 : memref<1x128xf32, #tpu.memory_space<vmem>> -> memref<128xf32, #tpu.memory_space<vmem>>
      %dma_wait3A_93 = arith.constant 0 : i32
      %dma_wait3A_94 = tpu.memref_slice %arg5[%add3A_89, %dma_wait3A_93] : memref<64x128xi32, #tpu.memory_space<vmem>> -> memref<1x128xi32, #tpu.memory_space<vmem>>
      %dma_wait3A_95 = tpu.memref_squeeze %dma_wait3A_94 : memref<1x128xi32, #tpu.memory_space<vmem>> -> memref<128xi32, #tpu.memory_space<vmem>>
      %dma_wait3A_96 = arith.constant 0 : i32
      %dma_wait3A_97 = tpu.memref_slice %arg3[%dma_wait3A_96] : memref<1601536xf32, #tpu.memory_space<hbm>> -> memref<1601536xf32, #tpu.memory_space<hbm>>
      tpu.wait_indirect_dma semaphore(%arg7 : memref<!tpu.dma_semaphore, #tpu.memory_space<semaphore_mem>>) src(%dma_wait3A_97 : memref<1601536xf32, #tpu.memory_space<hbm>>) dst(%dma_wait3A_92 : memref<128xf32, #tpu.memory_space<vmem>>)
      %mul3A_98 = arith.constant 16 : i32
      %mul3A_99 = arith.muli %scan3A_14, %mul3A_98 : i32
      %add3A_100 = arith.constant 7 : i32
      %add3A_101 = arith.addi %mul3A_99, %add3A_100 : i32
      %dma_wait3A_102 = arith.constant 0 : i32
      %dma_wait3A_103 = tpu.memref_slice %arg6[%add3A_101, %dma_wait3A_102] : memref<64x128xf32, #tpu.memory_space<vmem>> -> memref<1x128xf32, #tpu.memory_space<vmem>>
      %dma_wait3A_104 = tpu.memref_squeeze %dma_wait3A_103 : memref<1x128xf32, #tpu.memory_space<vmem>> -> memref<128xf32, #tpu.memory_space<vmem>>
      %dma_wait3A_105 = arith.constant 0 : i32
      %dma_wait3A_106 = tpu.memref_slice %arg5[%add3A_101, %dma_wait3A_105] : memref<64x128xi32, #tpu.memory_space<vmem>> -> memref<1x128xi32, #tpu.memory_space<vmem>>
      %dma_wait3A_107 = tpu.memref_squeeze %dma_wait3A_106 : memref<1x128xi32, #tpu.memory_space<vmem>> -> memref<128xi32, #tpu.memory_space<vmem>>
      %dma_wait3A_108 = arith.constant 0 : i32
      %dma_wait3A_109 = tpu.memref_slice %arg3[%dma_wait3A_108] : memref<1601536xf32, #tpu.memory_space<hbm>> -> memref<1601536xf32, #tpu.memory_space<hbm>>
      tpu.wait_indirect_dma semaphore(%arg7 : memref<!tpu.dma_semaphore, #tpu.memory_space<semaphore_mem>>) src(%dma_wait3A_109 : memref<1601536xf32, #tpu.memory_space<hbm>>) dst(%dma_wait3A_104 : memref<128xf32, #tpu.memory_space<vmem>>)
      %mul3A_110 = arith.constant 16 : i32
      %mul3A_111 = arith.muli %scan3A_14, %mul3A_110 : i32
      %add3A_112 = arith.constant 8 : i32
      %add3A_113 = arith.addi %mul3A_111, %add3A_112 : i32
      %dma_wait3A_114 = arith.constant 0 : i32
      %dma_wait3A_115 = tpu.memref_slice %arg6[%add3A_113, %dma_wait3A_114] : memref<64x128xf32, #tpu.memory_space<vmem>> -> memref<1x128xf32, #tpu.memory_space<vmem>>
      %dma_wait3A_116 = tpu.memref_squeeze %dma_wait3A_115 : memref<1x128xf32, #tpu.memory_space<vmem>> -> memref<128xf32, #tpu.memory_space<vmem>>
      %dma_wait3A_117 = arith.constant 0 : i32
      %dma_wait3A_118 = tpu.memref_slice %arg5[%add3A_113, %dma_wait3A_117] : memref<64x128xi32, #tpu.memory_space<vmem>> -> memref<1x128xi32, #tpu.memory_space<vmem>>
      %dma_wait3A_119 = tpu.memref_squeeze %dma_wait3A_118 : memref<1x128xi32, #tpu.memory_space<vmem>> -> memref<128xi32, #tpu.memory_space<vmem>>
      %dma_wait3A_120 = arith.constant 0 : i32
      %dma_wait3A_121 = tpu.memref_slice %arg3[%dma_wait3A_120] : memref<1601536xf32, #tpu.memory_space<hbm>> -> memref<1601536xf32, #tpu.memory_space<hbm>>
      tpu.wait_indirect_dma semaphore(%arg7 : memref<!tpu.dma_semaphore, #tpu.memory_space<semaphore_mem>>) src(%dma_wait3A_121 : memref<1601536xf32, #tpu.memory_space<hbm>>) dst(%dma_wait3A_116 : memref<128xf32, #tpu.memory_space<vmem>>)
      %mul3A_122 = arith.constant 16 : i32
      %mul3A_123 = arith.muli %scan3A_14, %mul3A_122 : i32
      %add3A_124 = arith.constant 9 : i32
      %add3A_125 = arith.addi %mul3A_123, %add3A_124 : i32
      %dma_wait3A_126 = arith.constant 0 : i32
      %dma_wait3A_127 = tpu.memref_slice %arg6[%add3A_125, %dma_wait3A_126] : memref<64x128xf32, #tpu.memory_space<vmem>> -> memref<1x128xf32, #tpu.memory_space<vmem>>
      %dma_wait3A_128 = tpu.memref_squeeze %dma_wait3A_127 : memref<1x128xf32, #tpu.memory_space<vmem>> -> memref<128xf32, #tpu.memory_space<vmem>>
      %dma_wait3A_129 = arith.constant 0 : i32
      %dma_wait3A_130 = tpu.memref_slice %arg5[%add3A_125, %dma_wait3A_129] : memref<64x128xi32, #tpu.memory_space<vmem>> -> memref<1x128xi32, #tpu.memory_space<vmem>>
      %dma_wait3A_131 = tpu.memref_squeeze %dma_wait3A_130 : memref<1x128xi32, #tpu.memory_space<vmem>> -> memref<128xi32, #tpu.memory_space<vmem>>
      %dma_wait3A_132 = arith.constant 0 : i32
      %dma_wait3A_133 = tpu.memref_slice %arg3[%dma_wait3A_132] : memref<1601536xf32, #tpu.memory_space<hbm>> -> memref<1601536xf32, #tpu.memory_space<hbm>>
      tpu.wait_indirect_dma semaphore(%arg7 : memref<!tpu.dma_semaphore, #tpu.memory_space<semaphore_mem>>) src(%dma_wait3A_133 : memref<1601536xf32, #tpu.memory_space<hbm>>) dst(%dma_wait3A_128 : memref<128xf32, #tpu.memory_space<vmem>>)
      %mul3A_134 = arith.constant 16 : i32
      %mul3A_135 = arith.muli %scan3A_14, %mul3A_134 : i32
      %add3A_136 = arith.constant 10 : i32
      %add3A_137 = arith.addi %mul3A_135, %add3A_136 : i32
      %dma_wait3A_138 = arith.constant 0 : i32
      %dma_wait3A_139 = tpu.memref_slice %arg6[%add3A_137, %dma_wait3A_138] : memref<64x128xf32, #tpu.memory_space<vmem>> -> memref<1x128xf32, #tpu.memory_space<vmem>>
      %dma_wait3A_140 = tpu.memref_squeeze %dma_wait3A_139 : memref<1x128xf32, #tpu.memory_space<vmem>> -> memref<128xf32, #tpu.memory_space<vmem>>
      %dma_wait3A_141 = arith.constant 0 : i32
      %dma_wait3A_142 = tpu.memref_slice %arg5[%add3A_137, %dma_wait3A_141] : memref<64x128xi32, #tpu.memory_space<vmem>> -> memref<1x128xi32, #tpu.memory_space<vmem>>
      %dma_wait3A_143 = tpu.memref_squeeze %dma_wait3A_142 : memref<1x128xi32, #tpu.memory_space<vmem>> -> memref<128xi32, #tpu.memory_space<vmem>>
      %dma_wait3A_144 = arith.constant 0 : i32
      %dma_wait3A_145 = tpu.memref_slice %arg3[%dma_wait3A_144] : memref<1601536xf32, #tpu.memory_space<hbm>> -> memref<1601536xf32, #tpu.memory_space<hbm>>
      tpu.wait_indirect_dma semaphore(%arg7 : memref<!tpu.dma_semaphore, #tpu.memory_space<semaphore_mem>>) src(%dma_wait3A_145 : memref<1601536xf32, #tpu.memory_space<hbm>>) dst(%dma_wait3A_140 : memref<128xf32, #tpu.memory_space<vmem>>)
      %mul3A_146 = arith.constant 16 : i32
      %mul3A_147 = arith.muli %scan3A_14, %mul3A_146 : i32
      %add3A_148 = arith.constant 11 : i32
      %add3A_149 = arith.addi %mul3A_147, %add3A_148 : i32
      %dma_wait3A_150 = arith.constant 0 : i32
      %dma_wait3A_151 = tpu.memref_slice %arg6[%add3A_149, %dma_wait3A_150] : memref<64x128xf32, #tpu.memory_space<vmem>> -> memref<1x128xf32, #tpu.memory_space<vmem>>
      %dma_wait3A_152 = tpu.memref_squeeze %dma_wait3A_151 : memref<1x128xf32, #tpu.memory_space<vmem>> -> memref<128xf32, #tpu.memory_space<vmem>>
      %dma_wait3A_153 = arith.constant 0 : i32
      %dma_wait3A_154 = tpu.memref_slice %arg5[%add3A_149, %dma_wait3A_153] : memref<64x128xi32, #tpu.memory_space<vmem>> -> memref<1x128xi32, #tpu.memory_space<vmem>>
      %dma_wait3A_155 = tpu.memref_squeeze %dma_wait3A_154 : memref<1x128xi32, #tpu.memory_space<vmem>> -> memref<128xi32, #tpu.memory_space<vmem>>
      %dma_wait3A_156 = arith.constant 0 : i32
      %dma_wait3A_157 = tpu.memref_slice %arg3[%dma_wait3A_156] : memref<1601536xf32, #tpu.memory_space<hbm>> -> memref<1601536xf32, #tpu.memory_space<hbm>>
      tpu.wait_indirect_dma semaphore(%arg7 : memref<!tpu.dma_semaphore, #tpu.memory_space<semaphore_mem>>) src(%dma_wait3A_157 : memref<1601536xf32, #tpu.memory_space<hbm>>) dst(%dma_wait3A_152 : memref<128xf32, #tpu.memory_space<vmem>>)
      %mul3A_158 = arith.constant 16 : i32
      %mul3A_159 = arith.muli %scan3A_14, %mul3A_158 : i32
      %add3A_160 = arith.constant 12 : i32
      %add3A_161 = arith.addi %mul3A_159, %add3A_160 : i32
      %dma_wait3A_162 = arith.constant 0 : i32
      %dma_wait3A_163 = tpu.memref_slice %arg6[%add3A_161, %dma_wait3A_162] : memref<64x128xf32, #tpu.memory_space<vmem>> -> memref<1x128xf32, #tpu.memory_space<vmem>>
      %dma_wait3A_164 = tpu.memref_squeeze %dma_wait3A_163 : memref<1x128xf32, #tpu.memory_space<vmem>> -> memref<128xf32, #tpu.memory_space<vmem>>
      %dma_wait3A_165 = arith.constant 0 : i32
      %dma_wait3A_166 = tpu.memref_slice %arg5[%add3A_161, %dma_wait3A_165] : memref<64x128xi32, #tpu.memory_space<vmem>> -> memref<1x128xi32, #tpu.memory_space<vmem>>
      %dma_wait3A_167 = tpu.memref_squeeze %dma_wait3A_166 : memref<1x128xi32, #tpu.memory_space<vmem>> -> memref<128xi32, #tpu.memory_space<vmem>>
      %dma_wait3A_168 = arith.constant 0 : i32
      %dma_wait3A_169 = tpu.memref_slice %arg3[%dma_wait3A_168] : memref<1601536xf32, #tpu.memory_space<hbm>> -> memref<1601536xf32, #tpu.memory_space<hbm>>
      tpu.wait_indirect_dma semaphore(%arg7 : memref<!tpu.dma_semaphore, #tpu.memory_space<semaphore_mem>>) src(%dma_wait3A_169 : memref<1601536xf32, #tpu.memory_space<hbm>>) dst(%dma_wait3A_164 : memref<128xf32, #tpu.memory_space<vmem>>)
      %mul3A_170 = arith.constant 16 : i32
      %mul3A_171 = arith.muli %scan3A_14, %mul3A_170 : i32
      %add3A_172 = arith.constant 13 : i32
      %add3A_173 = arith.addi %mul3A_171, %add3A_172 : i32
      %dma_wait3A_174 = arith.constant 0 : i32
      %dma_wait3A_175 = tpu.memref_slice %arg6[%add3A_173, %dma_wait3A_174] : memref<64x128xf32, #tpu.memory_space<vmem>> -> memref<1x128xf32, #tpu.memory_space<vmem>>
      %dma_wait3A_176 = tpu.memref_squeeze %dma_wait3A_175 : memref<1x128xf32, #tpu.memory_space<vmem>> -> memref<128xf32, #tpu.memory_space<vmem>>
      %dma_wait3A_177 = arith.constant 0 : i32
      %dma_wait3A_178 = tpu.memref_slice %arg5[%add3A_173, %dma_wait3A_177] : memref<64x128xi32, #tpu.memory_space<vmem>> -> memref<1x128xi32, #tpu.memory_space<vmem>>
      %dma_wait3A_179 = tpu.memref_squeeze %dma_wait3A_178 : memref<1x128xi32, #tpu.memory_space<vmem>> -> memref<128xi32, #tpu.memory_space<vmem>>
      %dma_wait3A_180 = arith.constant 0 : i32
      %dma_wait3A_181 = tpu.memref_slice %arg3[%dma_wait3A_180] : memref<1601536xf32, #tpu.memory_space<hbm>> -> memref<1601536xf32, #tpu.memory_space<hbm>>
      tpu.wait_indirect_dma semaphore(%arg7 : memref<!tpu.dma_semaphore, #tpu.memory_space<semaphore_mem>>) src(%dma_wait3A_181 : memref<1601536xf32, #tpu.memory_space<hbm>>) dst(%dma_wait3A_176 : memref<128xf32, #tpu.memory_space<vmem>>)
      %mul3A_182 = arith.constant 16 : i32
      %mul3A_183 = arith.muli %scan3A_14, %mul3A_182 : i32
      %add3A_184 = arith.constant 14 : i32
      %add3A_185 = arith.addi %mul3A_183, %add3A_184 : i32
      %dma_wait3A_186 = arith.constant 0 : i32
      %dma_wait3A_187 = tpu.memref_slice %arg6[%add3A_185, %dma_wait3A_186] : memref<64x128xf32, #tpu.memory_space<vmem>> -> memref<1x128xf32, #tpu.memory_space<vmem>>
      %dma_wait3A_188 = tpu.memref_squeeze %dma_wait3A_187 : memref<1x128xf32, #tpu.memory_space<vmem>> -> memref<128xf32, #tpu.memory_space<vmem>>
      %dma_wait3A_189 = arith.constant 0 : i32
      %dma_wait3A_190 = tpu.memref_slice %arg5[%add3A_185, %dma_wait3A_189] : memref<64x128xi32, #tpu.memory_space<vmem>> -> memref<1x128xi32, #tpu.memory_space<vmem>>
      %dma_wait3A_191 = tpu.memref_squeeze %dma_wait3A_190 : memref<1x128xi32, #tpu.memory_space<vmem>> -> memref<128xi32, #tpu.memory_space<vmem>>
      %dma_wait3A_192 = arith.constant 0 : i32
      %dma_wait3A_193 = tpu.memref_slice %arg3[%dma_wait3A_192] : memref<1601536xf32, #tpu.memory_space<hbm>> -> memref<1601536xf32, #tpu.memory_space<hbm>>
      tpu.wait_indirect_dma semaphore(%arg7 : memref<!tpu.dma_semaphore, #tpu.memory_space<semaphore_mem>>) src(%dma_wait3A_193 : memref<1601536xf32, #tpu.memory_space<hbm>>) dst(%dma_wait3A_188 : memref<128xf32, #tpu.memory_space<vmem>>)
      %mul3A_194 = arith.constant 16 : i32
      %mul3A_195 = arith.muli %scan3A_14, %mul3A_194 : i32
      %add3A_196 = arith.constant 15 : i32
      %add3A_197 = arith.addi %mul3A_195, %add3A_196 : i32
      %dma_wait3A_198 = arith.constant 0 : i32
      %dma_wait3A_199 = tpu.memref_slice %arg6[%add3A_197, %dma_wait3A_198] : memref<64x128xf32, #tpu.memory_space<vmem>> -> memref<1x128xf32, #tpu.memory_space<vmem>>
      %dma_wait3A_200 = tpu.memref_squeeze %dma_wait3A_199 : memref<1x128xf32, #tpu.memory_space<vmem>> -> memref<128xf32, #tpu.memory_space<vmem>>
      %dma_wait3A_201 = arith.constant 0 : i32
      %dma_wait3A_202 = tpu.memref_slice %arg5[%add3A_197, %dma_wait3A_201] : memref<64x128xi32, #tpu.memory_space<vmem>> -> memref<1x128xi32, #tpu.memory_space<vmem>>
      %dma_wait3A_203 = tpu.memref_squeeze %dma_wait3A_202 : memref<1x128xi32, #tpu.memory_space<vmem>> -> memref<128xi32, #tpu.memory_space<vmem>>
      %dma_wait3A_204 = arith.constant 0 : i32
      %dma_wait3A_205 = tpu.memref_slice %arg3[%dma_wait3A_204] : memref<1601536xf32, #tpu.memory_space<hbm>> -> memref<1601536xf32, #tpu.memory_space<hbm>>
      tpu.wait_indirect_dma semaphore(%arg7 : memref<!tpu.dma_semaphore, #tpu.memory_space<semaphore_mem>>) src(%dma_wait3A_205 : memref<1601536xf32, #tpu.memory_space<hbm>>) dst(%dma_wait3A_200 : memref<128xf32, #tpu.memory_space<vmem>>)
    }
    %scan3A_13 = arith.constant 4 : i32
    "tpu.region"() ({
      %run_scoped3A = tpu.sem_alloc : memref<!tpu.dma_semaphore, #tpu.memory_space<semaphore_mem>>
      %dma_start3A = arith.constant 0 : i32
      %dma_start3A_14 = tpu.memref_slice %arg4[%mul3A_2, %dma_start3A] : memref<2048x128xf32, #tpu.memory_space<hbm>> -> memref<64x128xf32, #tpu.memory_space<hbm>>
      %dma_start3A_15 = arith.constant 0 : i32
      %dma_start3A_16 = tpu.memref_slice %arg4[%mul3A_2, %dma_start3A_15] : memref<2048x128xf32, #tpu.memory_space<hbm>> -> memref<64x128xf32, #tpu.memory_space<hbm>>
      tpu.enqueue_dma source(%arg6 : memref<64x128xf32, #tpu.memory_space<vmem>>) target(%dma_start3A_16 : memref<64x128xf32, #tpu.memory_space<hbm>>) target_semaphore(%run_scoped3A : memref<!tpu.dma_semaphore, #tpu.memory_space<semaphore_mem>>)
      %dma_wait3A = arith.constant 0 : i32
      %dma_wait3A_17 = tpu.memref_slice %arg4[%mul3A_2, %dma_wait3A] : memref<2048x128xf32, #tpu.memory_space<hbm>> -> memref<64x128xf32, #tpu.memory_space<hbm>>
      %dma_wait3A_18 = arith.constant 0 : i32
      %dma_wait3A_19 = tpu.memref_slice %arg4[%mul3A_2, %dma_wait3A_18] : memref<2048x128xf32, #tpu.memory_space<hbm>> -> memref<64x128xf32, #tpu.memory_space<hbm>>
      tpu.wait_dma2 semaphore(%run_scoped3A : memref<!tpu.dma_semaphore, #tpu.memory_space<semaphore_mem>>) src(%arg6 : memref<64x128xf32, #tpu.memory_space<vmem>>) dst(%dma_wait3A_19 : memref<64x128xf32, #tpu.memory_space<hbm>>)
      tpu.yield
    }) : () -> ()
    return
  }
}

#map = affine_map<(d0, d1) -> (0, 0)>
#map1 = affine_map<(d0, d1) -> (0)>
module attributes {stable_mosaic.version = 14 : i64} {
  func.func @k(%arg0: i32, %arg1: i32, %arg2: memref<2048x128xi32, #tpu.memory_space<hbm>>, %arg3: memref<1601536xf32, #tpu.memory_space<hbm>>, %arg4: memref<2048x128xf32, #tpu.memory_space<hbm>>, %arg5: memref<64x128xi32, #tpu.memory_space<vmem>>, %arg6: memref<64x128xf32, #tpu.memory_space<vmem>>, %arg7: memref<!tpu.dma_semaphore, #tpu.memory_space<semaphore_mem>>) attributes {dimension_semantics = [#tpu.dimension_semantics<core_parallel>, #tpu.dimension_semantics<subcore_parallel>], iteration_bounds = array<i64: 2, 16>, scalar_prefetch = 0 : i64, scratch_operands = 3 : i64, tpu.core_type = #tpu.core_type<sc_vector_subcore>, window_params = [{transform_indices = #map}, {transform_indices = #map1}, {transform_indices = #map}]} {
    %mul3A = arith.constant 2 : i32
    %mul3A_0 = arith.muli %arg1, %mul3A : i32
    %add3A = arith.addi %mul3A_0, %arg0 : i32
    %mul3A_1 = arith.constant 64 : i32
    %mul3A_2 = arith.muli %add3A, %mul3A_1 : i32
    "tpu.region"() ({
      %run_scoped3A = tpu.sem_alloc : memref<!tpu.dma_semaphore, #tpu.memory_space<semaphore_mem>>
      %dma_start3A = arith.constant 0 : i32
      %dma_start3A_14 = tpu.memref_slice %arg2[%mul3A_2, %dma_start3A] : memref<2048x128xi32, #tpu.memory_space<hbm>> -> memref<64x128xi32, #tpu.memory_space<hbm>>
      %dma_start3A_15 = arith.constant 0 : i32
      %dma_start3A_16 = tpu.memref_slice %arg2[%mul3A_2, %dma_start3A_15] : memref<2048x128xi32, #tpu.memory_space<hbm>> -> memref<64x128xi32, #tpu.memory_space<hbm>>
      tpu.enqueue_dma source(%dma_start3A_16 : memref<64x128xi32, #tpu.memory_space<hbm>>) target(%arg5 : memref<64x128xi32, #tpu.memory_space<vmem>>) target_semaphore(%run_scoped3A : memref<!tpu.dma_semaphore, #tpu.memory_space<semaphore_mem>>)
      %dma_wait3A = arith.constant 0 : i32
      %dma_wait3A_17 = tpu.memref_slice %arg2[%mul3A_2, %dma_wait3A] : memref<2048x128xi32, #tpu.memory_space<hbm>> -> memref<64x128xi32, #tpu.memory_space<hbm>>
      %dma_wait3A_18 = arith.constant 0 : i32
      %dma_wait3A_19 = tpu.memref_slice %arg2[%mul3A_2, %dma_wait3A_18] : memref<2048x128xi32, #tpu.memory_space<hbm>> -> memref<64x128xi32, #tpu.memory_space<hbm>>
      tpu.wait_dma2 semaphore(%run_scoped3A : memref<!tpu.dma_semaphore, #tpu.memory_space<semaphore_mem>>) src(%dma_wait3A_19 : memref<64x128xi32, #tpu.memory_space<hbm>>) dst(%arg5 : memref<64x128xi32, #tpu.memory_space<vmem>>)
      tpu.yield
    }) : () -> ()
    %scan3A = arith.constant 0 : i32
    %scan3A_3 = arith.constant 0 : i32
    %scan3A_4 = arith.constant 4 : i32
    %scan3A_5 = arith.addi %scan3A_3, %scan3A_4 : i32
    %scan3A_6 = arith.constant 1 : i32
    scf.for %scan3A_14 = %scan3A_3 to %scan3A_5 step %scan3A_6  : i32 {
      %mul3A_15 = arith.constant 16 : i32
      %mul3A_16 = arith.muli %scan3A_14, %mul3A_15 : i32
      %add3A_17 = arith.constant 0 : i32
      %add3A_18 = arith.addi %mul3A_16, %add3A_17 : i32
      %dma_start3A = arith.constant 0 : i32
      %dma_start3A_19 = tpu.memref_slice %arg6[%add3A_18, %dma_start3A] : memref<64x128xf32, #tpu.memory_space<vmem>> -> memref<1x128xf32, #tpu.memory_space<vmem>>
      %dma_start3A_20 = tpu.memref_squeeze %dma_start3A_19 : memref<1x128xf32, #tpu.memory_space<vmem>> -> memref<128xf32, #tpu.memory_space<vmem>>
      %dma_start3A_21 = arith.constant 0 : i32
      %dma_start3A_22 = tpu.memref_slice %arg5[%add3A_18, %dma_start3A_21] : memref<64x128xi32, #tpu.memory_space<vmem>> -> memref<1x128xi32, #tpu.memory_space<vmem>>
      %dma_start3A_23 = tpu.memref_squeeze %dma_start3A_22 : memref<1x128xi32, #tpu.memory_space<vmem>> -> memref<128xi32, #tpu.memory_space<vmem>>
      %dma_start3A_24 = arith.constant 0 : i32
      %dma_start3A_25 = tpu.memref_slice %arg3[%dma_start3A_24] : memref<1601536xf32, #tpu.memory_space<hbm>> -> memref<1601536xf32, #tpu.memory_space<hbm>>
      tpu.enqueue_indirect_dma source(%dma_start3A_25 : memref<1601536xf32, #tpu.memory_space<hbm>>) target(%dma_start3A_20 : memref<128xf32, #tpu.memory_space<vmem>>) offsets(%dma_start3A_23 : memref<128xi32, #tpu.memory_space<vmem>>) semaphore(%arg7 : memref<!tpu.dma_semaphore, #tpu.memory_space<semaphore_mem>>)
      %mul3A_26 = arith.constant 16 : i32
      %mul3A_27 = arith.muli %scan3A_14, %mul3A_26 : i32
      %add3A_28 = arith.constant 1 : i32
      %add3A_29 = arith.addi %mul3A_27, %add3A_28 : i32
      %dma_start3A_30 = arith.constant 0 : i32
      %dma_start3A_31 = tpu.memref_slice %arg6[%add3A_29, %dma_start3A_30] : memref<64x128xf32, #tpu.memory_space<vmem>> -> memref<1x128xf32, #tpu.memory_space<vmem>>
      %dma_start3A_32 = tpu.memref_squeeze %dma_start3A_31 : memref<1x128xf32, #tpu.memory_space<vmem>> -> memref<128xf32, #tpu.memory_space<vmem>>
      %dma_start3A_33 = arith.constant 0 : i32
      %dma_start3A_34 = tpu.memref_slice %arg5[%add3A_29, %dma_start3A_33] : memref<64x128xi32, #tpu.memory_space<vmem>> -> memref<1x128xi32, #tpu.memory_space<vmem>>
      %dma_start3A_35 = tpu.memref_squeeze %dma_start3A_34 : memref<1x128xi32, #tpu.memory_space<vmem>> -> memref<128xi32, #tpu.memory_space<vmem>>
      %dma_start3A_36 = arith.constant 0 : i32
      %dma_start3A_37 = tpu.memref_slice %arg3[%dma_start3A_36] : memref<1601536xf32, #tpu.memory_space<hbm>> -> memref<1601536xf32, #tpu.memory_space<hbm>>
      tpu.enqueue_indirect_dma source(%dma_start3A_37 : memref<1601536xf32, #tpu.memory_space<hbm>>) target(%dma_start3A_32 : memref<128xf32, #tpu.memory_space<vmem>>) offsets(%dma_start3A_35 : memref<128xi32, #tpu.memory_space<vmem>>) semaphore(%arg7 : memref<!tpu.dma_semaphore, #tpu.memory_space<semaphore_mem>>)
      %mul3A_38 = arith.constant 16 : i32
      %mul3A_39 = arith.muli %scan3A_14, %mul3A_38 : i32
      %add3A_40 = arith.constant 2 : i32
      %add3A_41 = arith.addi %mul3A_39, %add3A_40 : i32
      %dma_start3A_42 = arith.constant 0 : i32
      %dma_start3A_43 = tpu.memref_slice %arg6[%add3A_41, %dma_start3A_42] : memref<64x128xf32, #tpu.memory_space<vmem>> -> memref<1x128xf32, #tpu.memory_space<vmem>>
      %dma_start3A_44 = tpu.memref_squeeze %dma_start3A_43 : memref<1x128xf32, #tpu.memory_space<vmem>> -> memref<128xf32, #tpu.memory_space<vmem>>
      %dma_start3A_45 = arith.constant 0 : i32
      %dma_start3A_46 = tpu.memref_slice %arg5[%add3A_41, %dma_start3A_45] : memref<64x128xi32, #tpu.memory_space<vmem>> -> memref<1x128xi32, #tpu.memory_space<vmem>>
      %dma_start3A_47 = tpu.memref_squeeze %dma_start3A_46 : memref<1x128xi32, #tpu.memory_space<vmem>> -> memref<128xi32, #tpu.memory_space<vmem>>
      %dma_start3A_48 = arith.constant 0 : i32
      %dma_start3A_49 = tpu.memref_slice %arg3[%dma_start3A_48] : memref<1601536xf32, #tpu.memory_space<hbm>> -> memref<1601536xf32, #tpu.memory_space<hbm>>
      tpu.enqueue_indirect_dma source(%dma_start3A_49 : memref<1601536xf32, #tpu.memory_space<hbm>>) target(%dma_start3A_44 : memref<128xf32, #tpu.memory_space<vmem>>) offsets(%dma_start3A_47 : memref<128xi32, #tpu.memory_space<vmem>>) semaphore(%arg7 : memref<!tpu.dma_semaphore, #tpu.memory_space<semaphore_mem>>)
      %mul3A_50 = arith.constant 16 : i32
      %mul3A_51 = arith.muli %scan3A_14, %mul3A_50 : i32
      %add3A_52 = arith.constant 3 : i32
      %add3A_53 = arith.addi %mul3A_51, %add3A_52 : i32
      %dma_start3A_54 = arith.constant 0 : i32
      %dma_start3A_55 = tpu.memref_slice %arg6[%add3A_53, %dma_start3A_54] : memref<64x128xf32, #tpu.memory_space<vmem>> -> memref<1x128xf32, #tpu.memory_space<vmem>>
      %dma_start3A_56 = tpu.memref_squeeze %dma_start3A_55 : memref<1x128xf32, #tpu.memory_space<vmem>> -> memref<128xf32, #tpu.memory_space<vmem>>
      %dma_start3A_57 = arith.constant 0 : i32
      %dma_start3A_58 = tpu.memref_slice %arg5[%add3A_53, %dma_start3A_57] : memref<64x128xi32, #tpu.memory_space<vmem>> -> memref<1x128xi32, #tpu.memory_space<vmem>>
      %dma_start3A_59 = tpu.memref_squeeze %dma_start3A_58 : memref<1x128xi32, #tpu.memory_space<vmem>> -> memref<128xi32, #tpu.memory_space<vmem>>
      %dma_start3A_60 = arith.constant 0 : i32
      %dma_start3A_61 = tpu.memref_slice %arg3[%dma_start3A_60] : memref<1601536xf32, #tpu.memory_space<hbm>> -> memref<1601536xf32, #tpu.memory_space<hbm>>
      tpu.enqueue_indirect_dma source(%dma_start3A_61 : memref<1601536xf32, #tpu.memory_space<hbm>>) target(%dma_start3A_56 : memref<128xf32, #tpu.memory_space<vmem>>) offsets(%dma_start3A_59 : memref<128xi32, #tpu.memory_space<vmem>>) semaphore(%arg7 : memref<!tpu.dma_semaphore, #tpu.memory_space<semaphore_mem>>)
      %mul3A_62 = arith.constant 16 : i32
      %mul3A_63 = arith.muli %scan3A_14, %mul3A_62 : i32
      %add3A_64 = arith.constant 4 : i32
      %add3A_65 = arith.addi %mul3A_63, %add3A_64 : i32
      %dma_start3A_66 = arith.constant 0 : i32
      %dma_start3A_67 = tpu.memref_slice %arg6[%add3A_65, %dma_start3A_66] : memref<64x128xf32, #tpu.memory_space<vmem>> -> memref<1x128xf32, #tpu.memory_space<vmem>>
      %dma_start3A_68 = tpu.memref_squeeze %dma_start3A_67 : memref<1x128xf32, #tpu.memory_space<vmem>> -> memref<128xf32, #tpu.memory_space<vmem>>
      %dma_start3A_69 = arith.constant 0 : i32
      %dma_start3A_70 = tpu.memref_slice %arg5[%add3A_65, %dma_start3A_69] : memref<64x128xi32, #tpu.memory_space<vmem>> -> memref<1x128xi32, #tpu.memory_space<vmem>>
      %dma_start3A_71 = tpu.memref_squeeze %dma_start3A_70 : memref<1x128xi32, #tpu.memory_space<vmem>> -> memref<128xi32, #tpu.memory_space<vmem>>
      %dma_start3A_72 = arith.constant 0 : i32
      %dma_start3A_73 = tpu.memref_slice %arg3[%dma_start3A_72] : memref<1601536xf32, #tpu.memory_space<hbm>> -> memref<1601536xf32, #tpu.memory_space<hbm>>
      tpu.enqueue_indirect_dma source(%dma_start3A_73 : memref<1601536xf32, #tpu.memory_space<hbm>>) target(%dma_start3A_68 : memref<128xf32, #tpu.memory_space<vmem>>) offsets(%dma_start3A_71 : memref<128xi32, #tpu.memory_space<vmem>>) semaphore(%arg7 : memref<!tpu.dma_semaphore, #tpu.memory_space<semaphore_mem>>)
      %mul3A_74 = arith.constant 16 : i32
      %mul3A_75 = arith.muli %scan3A_14, %mul3A_74 : i32
      %add3A_76 = arith.constant 5 : i32
      %add3A_77 = arith.addi %mul3A_75, %add3A_76 : i32
      %dma_start3A_78 = arith.constant 0 : i32
      %dma_start3A_79 = tpu.memref_slice %arg6[%add3A_77, %dma_start3A_78] : memref<64x128xf32, #tpu.memory_space<vmem>> -> memref<1x128xf32, #tpu.memory_space<vmem>>
      %dma_start3A_80 = tpu.memref_squeeze %dma_start3A_79 : memref<1x128xf32, #tpu.memory_space<vmem>> -> memref<128xf32, #tpu.memory_space<vmem>>
      %dma_start3A_81 = arith.constant 0 : i32
      %dma_start3A_82 = tpu.memref_slice %arg5[%add3A_77, %dma_start3A_81] : memref<64x128xi32, #tpu.memory_space<vmem>> -> memref<1x128xi32, #tpu.memory_space<vmem>>
      %dma_start3A_83 = tpu.memref_squeeze %dma_start3A_82 : memref<1x128xi32, #tpu.memory_space<vmem>> -> memref<128xi32, #tpu.memory_space<vmem>>
      %dma_start3A_84 = arith.constant 0 : i32
      %dma_start3A_85 = tpu.memref_slice %arg3[%dma_start3A_84] : memref<1601536xf32, #tpu.memory_space<hbm>> -> memref<1601536xf32, #tpu.memory_space<hbm>>
      tpu.enqueue_indirect_dma source(%dma_start3A_85 : memref<1601536xf32, #tpu.memory_space<hbm>>) target(%dma_start3A_80 : memref<128xf32, #tpu.memory_space<vmem>>) offsets(%dma_start3A_83 : memref<128xi32, #tpu.memory_space<vmem>>) semaphore(%arg7 : memref<!tpu.dma_semaphore, #tpu.memory_space<semaphore_mem>>)
      %mul3A_86 = arith.constant 16 : i32
      %mul3A_87 = arith.muli %scan3A_14, %mul3A_86 : i32
      %add3A_88 = arith.constant 6 : i32
      %add3A_89 = arith.addi %mul3A_87, %add3A_88 : i32
      %dma_start3A_90 = arith.constant 0 : i32
      %dma_start3A_91 = tpu.memref_slice %arg6[%add3A_89, %dma_start3A_90] : memref<64x128xf32, #tpu.memory_space<vmem>> -> memref<1x128xf32, #tpu.memory_space<vmem>>
      %dma_start3A_92 = tpu.memref_squeeze %dma_start3A_91 : memref<1x128xf32, #tpu.memory_space<vmem>> -> memref<128xf32, #tpu.memory_space<vmem>>
      %dma_start3A_93 = arith.constant 0 : i32
      %dma_start3A_94 = tpu.memref_slice %arg5[%add3A_89, %dma_start3A_93] : memref<64x128xi32, #tpu.memory_space<vmem>> -> memref<1x128xi32, #tpu.memory_space<vmem>>
      %dma_start3A_95 = tpu.memref_squeeze %dma_start3A_94 : memref<1x128xi32, #tpu.memory_space<vmem>> -> memref<128xi32, #tpu.memory_space<vmem>>
      %dma_start3A_96 = arith.constant 0 : i32
      %dma_start3A_97 = tpu.memref_slice %arg3[%dma_start3A_96] : memref<1601536xf32, #tpu.memory_space<hbm>> -> memref<1601536xf32, #tpu.memory_space<hbm>>
      tpu.enqueue_indirect_dma source(%dma_start3A_97 : memref<1601536xf32, #tpu.memory_space<hbm>>) target(%dma_start3A_92 : memref<128xf32, #tpu.memory_space<vmem>>) offsets(%dma_start3A_95 : memref<128xi32, #tpu.memory_space<vmem>>) semaphore(%arg7 : memref<!tpu.dma_semaphore, #tpu.memory_space<semaphore_mem>>)
      %mul3A_98 = arith.constant 16 : i32
      %mul3A_99 = arith.muli %scan3A_14, %mul3A_98 : i32
      %add3A_100 = arith.constant 7 : i32
      %add3A_101 = arith.addi %mul3A_99, %add3A_100 : i32
      %dma_start3A_102 = arith.constant 0 : i32
      %dma_start3A_103 = tpu.memref_slice %arg6[%add3A_101, %dma_start3A_102] : memref<64x128xf32, #tpu.memory_space<vmem>> -> memref<1x128xf32, #tpu.memory_space<vmem>>
      %dma_start3A_104 = tpu.memref_squeeze %dma_start3A_103 : memref<1x128xf32, #tpu.memory_space<vmem>> -> memref<128xf32, #tpu.memory_space<vmem>>
      %dma_start3A_105 = arith.constant 0 : i32
      %dma_start3A_106 = tpu.memref_slice %arg5[%add3A_101, %dma_start3A_105] : memref<64x128xi32, #tpu.memory_space<vmem>> -> memref<1x128xi32, #tpu.memory_space<vmem>>
      %dma_start3A_107 = tpu.memref_squeeze %dma_start3A_106 : memref<1x128xi32, #tpu.memory_space<vmem>> -> memref<128xi32, #tpu.memory_space<vmem>>
      %dma_start3A_108 = arith.constant 0 : i32
      %dma_start3A_109 = tpu.memref_slice %arg3[%dma_start3A_108] : memref<1601536xf32, #tpu.memory_space<hbm>> -> memref<1601536xf32, #tpu.memory_space<hbm>>
      tpu.enqueue_indirect_dma source(%dma_start3A_109 : memref<1601536xf32, #tpu.memory_space<hbm>>) target(%dma_start3A_104 : memref<128xf32, #tpu.memory_space<vmem>>) offsets(%dma_start3A_107 : memref<128xi32, #tpu.memory_space<vmem>>) semaphore(%arg7 : memref<!tpu.dma_semaphore, #tpu.memory_space<semaphore_mem>>)
      %mul3A_110 = arith.constant 16 : i32
      %mul3A_111 = arith.muli %scan3A_14, %mul3A_110 : i32
      %add3A_112 = arith.constant 8 : i32
      %add3A_113 = arith.addi %mul3A_111, %add3A_112 : i32
      %dma_start3A_114 = arith.constant 0 : i32
      %dma_start3A_115 = tpu.memref_slice %arg6[%add3A_113, %dma_start3A_114] : memref<64x128xf32, #tpu.memory_space<vmem>> -> memref<1x128xf32, #tpu.memory_space<vmem>>
      %dma_start3A_116 = tpu.memref_squeeze %dma_start3A_115 : memref<1x128xf32, #tpu.memory_space<vmem>> -> memref<128xf32, #tpu.memory_space<vmem>>
      %dma_start3A_117 = arith.constant 0 : i32
      %dma_start3A_118 = tpu.memref_slice %arg5[%add3A_113, %dma_start3A_117] : memref<64x128xi32, #tpu.memory_space<vmem>> -> memref<1x128xi32, #tpu.memory_space<vmem>>
      %dma_start3A_119 = tpu.memref_squeeze %dma_start3A_118 : memref<1x128xi32, #tpu.memory_space<vmem>> -> memref<128xi32, #tpu.memory_space<vmem>>
      %dma_start3A_120 = arith.constant 0 : i32
      %dma_start3A_121 = tpu.memref_slice %arg3[%dma_start3A_120] : memref<1601536xf32, #tpu.memory_space<hbm>> -> memref<1601536xf32, #tpu.memory_space<hbm>>
      tpu.enqueue_indirect_dma source(%dma_start3A_121 : memref<1601536xf32, #tpu.memory_space<hbm>>) target(%dma_start3A_116 : memref<128xf32, #tpu.memory_space<vmem>>) offsets(%dma_start3A_119 : memref<128xi32, #tpu.memory_space<vmem>>) semaphore(%arg7 : memref<!tpu.dma_semaphore, #tpu.memory_space<semaphore_mem>>)
      %mul3A_122 = arith.constant 16 : i32
      %mul3A_123 = arith.muli %scan3A_14, %mul3A_122 : i32
      %add3A_124 = arith.constant 9 : i32
      %add3A_125 = arith.addi %mul3A_123, %add3A_124 : i32
      %dma_start3A_126 = arith.constant 0 : i32
      %dma_start3A_127 = tpu.memref_slice %arg6[%add3A_125, %dma_start3A_126] : memref<64x128xf32, #tpu.memory_space<vmem>> -> memref<1x128xf32, #tpu.memory_space<vmem>>
      %dma_start3A_128 = tpu.memref_squeeze %dma_start3A_127 : memref<1x128xf32, #tpu.memory_space<vmem>> -> memref<128xf32, #tpu.memory_space<vmem>>
      %dma_start3A_129 = arith.constant 0 : i32
      %dma_start3A_130 = tpu.memref_slice %arg5[%add3A_125, %dma_start3A_129] : memref<64x128xi32, #tpu.memory_space<vmem>> -> memref<1x128xi32, #tpu.memory_space<vmem>>
      %dma_start3A_131 = tpu.memref_squeeze %dma_start3A_130 : memref<1x128xi32, #tpu.memory_space<vmem>> -> memref<128xi32, #tpu.memory_space<vmem>>
      %dma_start3A_132 = arith.constant 0 : i32
      %dma_start3A_133 = tpu.memref_slice %arg3[%dma_start3A_132] : memref<1601536xf32, #tpu.memory_space<hbm>> -> memref<1601536xf32, #tpu.memory_space<hbm>>
      tpu.enqueue_indirect_dma source(%dma_start3A_133 : memref<1601536xf32, #tpu.memory_space<hbm>>) target(%dma_start3A_128 : memref<128xf32, #tpu.memory_space<vmem>>) offsets(%dma_start3A_131 : memref<128xi32, #tpu.memory_space<vmem>>) semaphore(%arg7 : memref<!tpu.dma_semaphore, #tpu.memory_space<semaphore_mem>>)
      %mul3A_134 = arith.constant 16 : i32
      %mul3A_135 = arith.muli %scan3A_14, %mul3A_134 : i32
      %add3A_136 = arith.constant 10 : i32
      %add3A_137 = arith.addi %mul3A_135, %add3A_136 : i32
      %dma_start3A_138 = arith.constant 0 : i32
      %dma_start3A_139 = tpu.memref_slice %arg6[%add3A_137, %dma_start3A_138] : memref<64x128xf32, #tpu.memory_space<vmem>> -> memref<1x128xf32, #tpu.memory_space<vmem>>
      %dma_start3A_140 = tpu.memref_squeeze %dma_start3A_139 : memref<1x128xf32, #tpu.memory_space<vmem>> -> memref<128xf32, #tpu.memory_space<vmem>>
      %dma_start3A_141 = arith.constant 0 : i32
      %dma_start3A_142 = tpu.memref_slice %arg5[%add3A_137, %dma_start3A_141] : memref<64x128xi32, #tpu.memory_space<vmem>> -> memref<1x128xi32, #tpu.memory_space<vmem>>
      %dma_start3A_143 = tpu.memref_squeeze %dma_start3A_142 : memref<1x128xi32, #tpu.memory_space<vmem>> -> memref<128xi32, #tpu.memory_space<vmem>>
      %dma_start3A_144 = arith.constant 0 : i32
      %dma_start3A_145 = tpu.memref_slice %arg3[%dma_start3A_144] : memref<1601536xf32, #tpu.memory_space<hbm>> -> memref<1601536xf32, #tpu.memory_space<hbm>>
      tpu.enqueue_indirect_dma source(%dma_start3A_145 : memref<1601536xf32, #tpu.memory_space<hbm>>) target(%dma_start3A_140 : memref<128xf32, #tpu.memory_space<vmem>>) offsets(%dma_start3A_143 : memref<128xi32, #tpu.memory_space<vmem>>) semaphore(%arg7 : memref<!tpu.dma_semaphore, #tpu.memory_space<semaphore_mem>>)
      %mul3A_146 = arith.constant 16 : i32
      %mul3A_147 = arith.muli %scan3A_14, %mul3A_146 : i32
      %add3A_148 = arith.constant 11 : i32
      %add3A_149 = arith.addi %mul3A_147, %add3A_148 : i32
      %dma_start3A_150 = arith.constant 0 : i32
      %dma_start3A_151 = tpu.memref_slice %arg6[%add3A_149, %dma_start3A_150] : memref<64x128xf32, #tpu.memory_space<vmem>> -> memref<1x128xf32, #tpu.memory_space<vmem>>
      %dma_start3A_152 = tpu.memref_squeeze %dma_start3A_151 : memref<1x128xf32, #tpu.memory_space<vmem>> -> memref<128xf32, #tpu.memory_space<vmem>>
      %dma_start3A_153 = arith.constant 0 : i32
      %dma_start3A_154 = tpu.memref_slice %arg5[%add3A_149, %dma_start3A_153] : memref<64x128xi32, #tpu.memory_space<vmem>> -> memref<1x128xi32, #tpu.memory_space<vmem>>
      %dma_start3A_155 = tpu.memref_squeeze %dma_start3A_154 : memref<1x128xi32, #tpu.memory_space<vmem>> -> memref<128xi32, #tpu.memory_space<vmem>>
      %dma_start3A_156 = arith.constant 0 : i32
      %dma_start3A_157 = tpu.memref_slice %arg3[%dma_start3A_156] : memref<1601536xf32, #tpu.memory_space<hbm>> -> memref<1601536xf32, #tpu.memory_space<hbm>>
      tpu.enqueue_indirect_dma source(%dma_start3A_157 : memref<1601536xf32, #tpu.memory_space<hbm>>) target(%dma_start3A_152 : memref<128xf32, #tpu.memory_space<vmem>>) offsets(%dma_start3A_155 : memref<128xi32, #tpu.memory_space<vmem>>) semaphore(%arg7 : memref<!tpu.dma_semaphore, #tpu.memory_space<semaphore_mem>>)
      %mul3A_158 = arith.constant 16 : i32
      %mul3A_159 = arith.muli %scan3A_14, %mul3A_158 : i32
      %add3A_160 = arith.constant 12 : i32
      %add3A_161 = arith.addi %mul3A_159, %add3A_160 : i32
      %dma_start3A_162 = arith.constant 0 : i32
      %dma_start3A_163 = tpu.memref_slice %arg6[%add3A_161, %dma_start3A_162] : memref<64x128xf32, #tpu.memory_space<vmem>> -> memref<1x128xf32, #tpu.memory_space<vmem>>
      %dma_start3A_164 = tpu.memref_squeeze %dma_start3A_163 : memref<1x128xf32, #tpu.memory_space<vmem>> -> memref<128xf32, #tpu.memory_space<vmem>>
      %dma_start3A_165 = arith.constant 0 : i32
      %dma_start3A_166 = tpu.memref_slice %arg5[%add3A_161, %dma_start3A_165] : memref<64x128xi32, #tpu.memory_space<vmem>> -> memref<1x128xi32, #tpu.memory_space<vmem>>
      %dma_start3A_167 = tpu.memref_squeeze %dma_start3A_166 : memref<1x128xi32, #tpu.memory_space<vmem>> -> memref<128xi32, #tpu.memory_space<vmem>>
      %dma_start3A_168 = arith.constant 0 : i32
      %dma_start3A_169 = tpu.memref_slice %arg3[%dma_start3A_168] : memref<1601536xf32, #tpu.memory_space<hbm>> -> memref<1601536xf32, #tpu.memory_space<hbm>>
      tpu.enqueue_indirect_dma source(%dma_start3A_169 : memref<1601536xf32, #tpu.memory_space<hbm>>) target(%dma_start3A_164 : memref<128xf32, #tpu.memory_space<vmem>>) offsets(%dma_start3A_167 : memref<128xi32, #tpu.memory_space<vmem>>) semaphore(%arg7 : memref<!tpu.dma_semaphore, #tpu.memory_space<semaphore_mem>>)
      %mul3A_170 = arith.constant 16 : i32
      %mul3A_171 = arith.muli %scan3A_14, %mul3A_170 : i32
      %add3A_172 = arith.constant 13 : i32
      %add3A_173 = arith.addi %mul3A_171, %add3A_172 : i32
      %dma_start3A_174 = arith.constant 0 : i32
      %dma_start3A_175 = tpu.memref_slice %arg6[%add3A_173, %dma_start3A_174] : memref<64x128xf32, #tpu.memory_space<vmem>> -> memref<1x128xf32, #tpu.memory_space<vmem>>
      %dma_start3A_176 = tpu.memref_squeeze %dma_start3A_175 : memref<1x128xf32, #tpu.memory_space<vmem>> -> memref<128xf32, #tpu.memory_space<vmem>>
      %dma_start3A_177 = arith.constant 0 : i32
      %dma_start3A_178 = tpu.memref_slice %arg5[%add3A_173, %dma_start3A_177] : memref<64x128xi32, #tpu.memory_space<vmem>> -> memref<1x128xi32, #tpu.memory_space<vmem>>
      %dma_start3A_179 = tpu.memref_squeeze %dma_start3A_178 : memref<1x128xi32, #tpu.memory_space<vmem>> -> memref<128xi32, #tpu.memory_space<vmem>>
      %dma_start3A_180 = arith.constant 0 : i32
      %dma_start3A_181 = tpu.memref_slice %arg3[%dma_start3A_180] : memref<1601536xf32, #tpu.memory_space<hbm>> -> memref<1601536xf32, #tpu.memory_space<hbm>>
      tpu.enqueue_indirect_dma source(%dma_start3A_181 : memref<1601536xf32, #tpu.memory_space<hbm>>) target(%dma_start3A_176 : memref<128xf32, #tpu.memory_space<vmem>>) offsets(%dma_start3A_179 : memref<128xi32, #tpu.memory_space<vmem>>) semaphore(%arg7 : memref<!tpu.dma_semaphore, #tpu.memory_space<semaphore_mem>>)
      %mul3A_182 = arith.constant 16 : i32
      %mul3A_183 = arith.muli %scan3A_14, %mul3A_182 : i32
      %add3A_184 = arith.constant 14 : i32
      %add3A_185 = arith.addi %mul3A_183, %add3A_184 : i32
      %dma_start3A_186 = arith.constant 0 : i32
      %dma_start3A_187 = tpu.memref_slice %arg6[%add3A_185, %dma_start3A_186] : memref<64x128xf32, #tpu.memory_space<vmem>> -> memref<1x128xf32, #tpu.memory_space<vmem>>
      %dma_start3A_188 = tpu.memref_squeeze %dma_start3A_187 : memref<1x128xf32, #tpu.memory_space<vmem>> -> memref<128xf32, #tpu.memory_space<vmem>>
      %dma_start3A_189 = arith.constant 0 : i32
      %dma_start3A_190 = tpu.memref_slice %arg5[%add3A_185, %dma_start3A_189] : memref<64x128xi32, #tpu.memory_space<vmem>> -> memref<1x128xi32, #tpu.memory_space<vmem>>
      %dma_start3A_191 = tpu.memref_squeeze %dma_start3A_190 : memref<1x128xi32, #tpu.memory_space<vmem>> -> memref<128xi32, #tpu.memory_space<vmem>>
      %dma_start3A_192 = arith.constant 0 : i32
      %dma_start3A_193 = tpu.memref_slice %arg3[%dma_start3A_192] : memref<1601536xf32, #tpu.memory_space<hbm>> -> memref<1601536xf32, #tpu.memory_space<hbm>>
      tpu.enqueue_indirect_dma source(%dma_start3A_193 : memref<1601536xf32, #tpu.memory_space<hbm>>) target(%dma_start3A_188 : memref<128xf32, #tpu.memory_space<vmem>>) offsets(%dma_start3A_191 : memref<128xi32, #tpu.memory_space<vmem>>) semaphore(%arg7 : memref<!tpu.dma_semaphore, #tpu.memory_space<semaphore_mem>>)
      %mul3A_194 = arith.constant 16 : i32
      %mul3A_195 = arith.muli %scan3A_14, %mul3A_194 : i32
      %add3A_196 = arith.constant 15 : i32
      %add3A_197 = arith.addi %mul3A_195, %add3A_196 : i32
      %dma_start3A_198 = arith.constant 0 : i32
      %dma_start3A_199 = tpu.memref_slice %arg6[%add3A_197, %dma_start3A_198] : memref<64x128xf32, #tpu.memory_space<vmem>> -> memref<1x128xf32, #tpu.memory_space<vmem>>
      %dma_start3A_200 = tpu.memref_squeeze %dma_start3A_199 : memref<1x128xf32, #tpu.memory_space<vmem>> -> memref<128xf32, #tpu.memory_space<vmem>>
      %dma_start3A_201 = arith.constant 0 : i32
      %dma_start3A_202 = tpu.memref_slice %arg5[%add3A_197, %dma_start3A_201] : memref<64x128xi32, #tpu.memory_space<vmem>> -> memref<1x128xi32, #tpu.memory_space<vmem>>
      %dma_start3A_203 = tpu.memref_squeeze %dma_start3A_202 : memref<1x128xi32, #tpu.memory_space<vmem>> -> memref<128xi32, #tpu.memory_space<vmem>>
      %dma_start3A_204 = arith.constant 0 : i32
      %dma_start3A_205 = tpu.memref_slice %arg3[%dma_start3A_204] : memref<1601536xf32, #tpu.memory_space<hbm>> -> memref<1601536xf32, #tpu.memory_space<hbm>>
      tpu.enqueue_indirect_dma source(%dma_start3A_205 : memref<1601536xf32, #tpu.memory_space<hbm>>) target(%dma_start3A_200 : memref<128xf32, #tpu.memory_space<vmem>>) offsets(%dma_start3A_203 : memref<128xi32, #tpu.memory_space<vmem>>) semaphore(%arg7 : memref<!tpu.dma_semaphore, #tpu.memory_space<semaphore_mem>>)
    }
    %scan3A_7 = arith.constant 4 : i32
    %scan3A_8 = arith.constant 0 : i32
    %scan3A_9 = arith.constant 0 : i32
    %scan3A_10 = arith.constant 4 : i32
    %scan3A_11 = arith.addi %scan3A_9, %scan3A_10 : i32
    %scan3A_12 = arith.constant 1 : i32
    scf.for %scan3A_14 = %scan3A_9 to %scan3A_11 step %scan3A_12  : i32 {
      %mul3A_15 = arith.constant 16 : i32
      %mul3A_16 = arith.muli %scan3A_14, %mul3A_15 : i32
      %add3A_17 = arith.constant 0 : i32
      %add3A_18 = arith.addi %mul3A_16, %add3A_17 : i32
      %dma_wait3A = arith.constant 0 : i32
      %dma_wait3A_19 = tpu.memref_slice %arg6[%add3A_18, %dma_wait3A] : memref<64x128xf32, #tpu.memory_space<vmem>> -> memref<1x128xf32, #tpu.memory_space<vmem>>
      %dma_wait3A_20 = tpu.memref_squeeze %dma_wait3A_19 : memref<1x128xf32, #tpu.memory_space<vmem>> -> memref<128xf32, #tpu.memory_space<vmem>>
      %dma_wait3A_21 = arith.constant 0 : i32
      %dma_wait3A_22 = tpu.memref_slice %arg5[%add3A_18, %dma_wait3A_21] : memref<64x128xi32, #tpu.memory_space<vmem>> -> memref<1x128xi32, #tpu.memory_space<vmem>>
      %dma_wait3A_23 = tpu.memref_squeeze %dma_wait3A_22 : memref<1x128xi32, #tpu.memory_space<vmem>> -> memref<128xi32, #tpu.memory_space<vmem>>
      %dma_wait3A_24 = arith.constant 0 : i32
      %dma_wait3A_25 = tpu.memref_slice %arg3[%dma_wait3A_24] : memref<1601536xf32, #tpu.memory_space<hbm>> -> memref<1601536xf32, #tpu.memory_space<hbm>>
      tpu.wait_indirect_dma semaphore(%arg7 : memref<!tpu.dma_semaphore, #tpu.memory_space<semaphore_mem>>) src(%dma_wait3A_25 : memref<1601536xf32, #tpu.memory_space<hbm>>) dst(%dma_wait3A_20 : memref<128xf32, #tpu.memory_space<vmem>>)
      %mul3A_26 = arith.constant 16 : i32
      %mul3A_27 = arith.muli %scan3A_14, %mul3A_26 : i32
      %add3A_28 = arith.constant 1 : i32
      %add3A_29 = arith.addi %mul3A_27, %add3A_28 : i32
      %dma_wait3A_30 = arith.constant 0 : i32
      %dma_wait3A_31 = tpu.memref_slice %arg6[%add3A_29, %dma_wait3A_30] : memref<64x128xf32, #tpu.memory_space<vmem>> -> memref<1x128xf32, #tpu.memory_space<vmem>>
      %dma_wait3A_32 = tpu.memref_squeeze %dma_wait3A_31 : memref<1x128xf32, #tpu.memory_space<vmem>> -> memref<128xf32, #tpu.memory_space<vmem>>
      %dma_wait3A_33 = arith.constant 0 : i32
      %dma_wait3A_34 = tpu.memref_slice %arg5[%add3A_29, %dma_wait3A_33] : memref<64x128xi32, #tpu.memory_space<vmem>> -> memref<1x128xi32, #tpu.memory_space<vmem>>
      %dma_wait3A_35 = tpu.memref_squeeze %dma_wait3A_34 : memref<1x128xi32, #tpu.memory_space<vmem>> -> memref<128xi32, #tpu.memory_space<vmem>>
      %dma_wait3A_36 = arith.constant 0 : i32
      %dma_wait3A_37 = tpu.memref_slice %arg3[%dma_wait3A_36] : memref<1601536xf32, #tpu.memory_space<hbm>> -> memref<1601536xf32, #tpu.memory_space<hbm>>
      tpu.wait_indirect_dma semaphore(%arg7 : memref<!tpu.dma_semaphore, #tpu.memory_space<semaphore_mem>>) src(%dma_wait3A_37 : memref<1601536xf32, #tpu.memory_space<hbm>>) dst(%dma_wait3A_32 : memref<128xf32, #tpu.memory_space<vmem>>)
      %mul3A_38 = arith.constant 16 : i32
      %mul3A_39 = arith.muli %scan3A_14, %mul3A_38 : i32
      %add3A_40 = arith.constant 2 : i32
      %add3A_41 = arith.addi %mul3A_39, %add3A_40 : i32
      %dma_wait3A_42 = arith.constant 0 : i32
      %dma_wait3A_43 = tpu.memref_slice %arg6[%add3A_41, %dma_wait3A_42] : memref<64x128xf32, #tpu.memory_space<vmem>> -> memref<1x128xf32, #tpu.memory_space<vmem>>
      %dma_wait3A_44 = tpu.memref_squeeze %dma_wait3A_43 : memref<1x128xf32, #tpu.memory_space<vmem>> -> memref<128xf32, #tpu.memory_space<vmem>>
      %dma_wait3A_45 = arith.constant 0 : i32
      %dma_wait3A_46 = tpu.memref_slice %arg5[%add3A_41, %dma_wait3A_45] : memref<64x128xi32, #tpu.memory_space<vmem>> -> memref<1x128xi32, #tpu.memory_space<vmem>>
      %dma_wait3A_47 = tpu.memref_squeeze %dma_wait3A_46 : memref<1x128xi32, #tpu.memory_space<vmem>> -> memref<128xi32, #tpu.memory_space<vmem>>
      %dma_wait3A_48 = arith.constant 0 : i32
      %dma_wait3A_49 = tpu.memref_slice %arg3[%dma_wait3A_48] : memref<1601536xf32, #tpu.memory_space<hbm>> -> memref<1601536xf32, #tpu.memory_space<hbm>>
      tpu.wait_indirect_dma semaphore(%arg7 : memref<!tpu.dma_semaphore, #tpu.memory_space<semaphore_mem>>) src(%dma_wait3A_49 : memref<1601536xf32, #tpu.memory_space<hbm>>) dst(%dma_wait3A_44 : memref<128xf32, #tpu.memory_space<vmem>>)
      %mul3A_50 = arith.constant 16 : i32
      %mul3A_51 = arith.muli %scan3A_14, %mul3A_50 : i32
      %add3A_52 = arith.constant 3 : i32
      %add3A_53 = arith.addi %mul3A_51, %add3A_52 : i32
      %dma_wait3A_54 = arith.constant 0 : i32
      %dma_wait3A_55 = tpu.memref_slice %arg6[%add3A_53, %dma_wait3A_54] : memref<64x128xf32, #tpu.memory_space<vmem>> -> memref<1x128xf32, #tpu.memory_space<vmem>>
      %dma_wait3A_56 = tpu.memref_squeeze %dma_wait3A_55 : memref<1x128xf32, #tpu.memory_space<vmem>> -> memref<128xf32, #tpu.memory_space<vmem>>
      %dma_wait3A_57 = arith.constant 0 : i32
      %dma_wait3A_58 = tpu.memref_slice %arg5[%add3A_53, %dma_wait3A_57] : memref<64x128xi32, #tpu.memory_space<vmem>> -> memref<1x128xi32, #tpu.memory_space<vmem>>
      %dma_wait3A_59 = tpu.memref_squeeze %dma_wait3A_58 : memref<1x128xi32, #tpu.memory_space<vmem>> -> memref<128xi32, #tpu.memory_space<vmem>>
      %dma_wait3A_60 = arith.constant 0 : i32
      %dma_wait3A_61 = tpu.memref_slice %arg3[%dma_wait3A_60] : memref<1601536xf32, #tpu.memory_space<hbm>> -> memref<1601536xf32, #tpu.memory_space<hbm>>
      tpu.wait_indirect_dma semaphore(%arg7 : memref<!tpu.dma_semaphore, #tpu.memory_space<semaphore_mem>>) src(%dma_wait3A_61 : memref<1601536xf32, #tpu.memory_space<hbm>>) dst(%dma_wait3A_56 : memref<128xf32, #tpu.memory_space<vmem>>)
      %mul3A_62 = arith.constant 16 : i32
      %mul3A_63 = arith.muli %scan3A_14, %mul3A_62 : i32
      %add3A_64 = arith.constant 4 : i32
      %add3A_65 = arith.addi %mul3A_63, %add3A_64 : i32
      %dma_wait3A_66 = arith.constant 0 : i32
      %dma_wait3A_67 = tpu.memref_slice %arg6[%add3A_65, %dma_wait3A_66] : memref<64x128xf32, #tpu.memory_space<vmem>> -> memref<1x128xf32, #tpu.memory_space<vmem>>
      %dma_wait3A_68 = tpu.memref_squeeze %dma_wait3A_67 : memref<1x128xf32, #tpu.memory_space<vmem>> -> memref<128xf32, #tpu.memory_space<vmem>>
      %dma_wait3A_69 = arith.constant 0 : i32
      %dma_wait3A_70 = tpu.memref_slice %arg5[%add3A_65, %dma_wait3A_69] : memref<64x128xi32, #tpu.memory_space<vmem>> -> memref<1x128xi32, #tpu.memory_space<vmem>>
      %dma_wait3A_71 = tpu.memref_squeeze %dma_wait3A_70 : memref<1x128xi32, #tpu.memory_space<vmem>> -> memref<128xi32, #tpu.memory_space<vmem>>
      %dma_wait3A_72 = arith.constant 0 : i32
      %dma_wait3A_73 = tpu.memref_slice %arg3[%dma_wait3A_72] : memref<1601536xf32, #tpu.memory_space<hbm>> -> memref<1601536xf32, #tpu.memory_space<hbm>>
      tpu.wait_indirect_dma semaphore(%arg7 : memref<!tpu.dma_semaphore, #tpu.memory_space<semaphore_mem>>) src(%dma_wait3A_73 : memref<1601536xf32, #tpu.memory_space<hbm>>) dst(%dma_wait3A_68 : memref<128xf32, #tpu.memory_space<vmem>>)
      %mul3A_74 = arith.constant 16 : i32
      %mul3A_75 = arith.muli %scan3A_14, %mul3A_74 : i32
      %add3A_76 = arith.constant 5 : i32
      %add3A_77 = arith.addi %mul3A_75, %add3A_76 : i32
      %dma_wait3A_78 = arith.constant 0 : i32
      %dma_wait3A_79 = tpu.memref_slice %arg6[%add3A_77, %dma_wait3A_78] : memref<64x128xf32, #tpu.memory_space<vmem>> -> memref<1x128xf32, #tpu.memory_space<vmem>>
      %dma_wait3A_80 = tpu.memref_squeeze %dma_wait3A_79 : memref<1x128xf32, #tpu.memory_space<vmem>> -> memref<128xf32, #tpu.memory_space<vmem>>
      %dma_wait3A_81 = arith.constant 0 : i32
      %dma_wait3A_82 = tpu.memref_slice %arg5[%add3A_77, %dma_wait3A_81] : memref<64x128xi32, #tpu.memory_space<vmem>> -> memref<1x128xi32, #tpu.memory_space<vmem>>
      %dma_wait3A_83 = tpu.memref_squeeze %dma_wait3A_82 : memref<1x128xi32, #tpu.memory_space<vmem>> -> memref<128xi32, #tpu.memory_space<vmem>>
      %dma_wait3A_84 = arith.constant 0 : i32
      %dma_wait3A_85 = tpu.memref_slice %arg3[%dma_wait3A_84] : memref<1601536xf32, #tpu.memory_space<hbm>> -> memref<1601536xf32, #tpu.memory_space<hbm>>
      tpu.wait_indirect_dma semaphore(%arg7 : memref<!tpu.dma_semaphore, #tpu.memory_space<semaphore_mem>>) src(%dma_wait3A_85 : memref<1601536xf32, #tpu.memory_space<hbm>>) dst(%dma_wait3A_80 : memref<128xf32, #tpu.memory_space<vmem>>)
      %mul3A_86 = arith.constant 16 : i32
      %mul3A_87 = arith.muli %scan3A_14, %mul3A_86 : i32
      %add3A_88 = arith.constant 6 : i32
      %add3A_89 = arith.addi %mul3A_87, %add3A_88 : i32
      %dma_wait3A_90 = arith.constant 0 : i32
      %dma_wait3A_91 = tpu.memref_slice %arg6[%add3A_89, %dma_wait3A_90] : memref<64x128xf32, #tpu.memory_space<vmem>> -> memref<1x128xf32, #tpu.memory_space<vmem>>
      %dma_wait3A_92 = tpu.memref_squeeze %dma_wait3A_91 : memref<1x128xf32, #tpu.memory_space<vmem>> -> memref<128xf32, #tpu.memory_space<vmem>>
      %dma_wait3A_93 = arith.constant 0 : i32
      %dma_wait3A_94 = tpu.memref_slice %arg5[%add3A_89, %dma_wait3A_93] : memref<64x128xi32, #tpu.memory_space<vmem>> -> memref<1x128xi32, #tpu.memory_space<vmem>>
      %dma_wait3A_95 = tpu.memref_squeeze %dma_wait3A_94 : memref<1x128xi32, #tpu.memory_space<vmem>> -> memref<128xi32, #tpu.memory_space<vmem>>
      %dma_wait3A_96 = arith.constant 0 : i32
      %dma_wait3A_97 = tpu.memref_slice %arg3[%dma_wait3A_96] : memref<1601536xf32, #tpu.memory_space<hbm>> -> memref<1601536xf32, #tpu.memory_space<hbm>>
      tpu.wait_indirect_dma semaphore(%arg7 : memref<!tpu.dma_semaphore, #tpu.memory_space<semaphore_mem>>) src(%dma_wait3A_97 : memref<1601536xf32, #tpu.memory_space<hbm>>) dst(%dma_wait3A_92 : memref<128xf32, #tpu.memory_space<vmem>>)
      %mul3A_98 = arith.constant 16 : i32
      %mul3A_99 = arith.muli %scan3A_14, %mul3A_98 : i32
      %add3A_100 = arith.constant 7 : i32
      %add3A_101 = arith.addi %mul3A_99, %add3A_100 : i32
      %dma_wait3A_102 = arith.constant 0 : i32
      %dma_wait3A_103 = tpu.memref_slice %arg6[%add3A_101, %dma_wait3A_102] : memref<64x128xf32, #tpu.memory_space<vmem>> -> memref<1x128xf32, #tpu.memory_space<vmem>>
      %dma_wait3A_104 = tpu.memref_squeeze %dma_wait3A_103 : memref<1x128xf32, #tpu.memory_space<vmem>> -> memref<128xf32, #tpu.memory_space<vmem>>
      %dma_wait3A_105 = arith.constant 0 : i32
      %dma_wait3A_106 = tpu.memref_slice %arg5[%add3A_101, %dma_wait3A_105] : memref<64x128xi32, #tpu.memory_space<vmem>> -> memref<1x128xi32, #tpu.memory_space<vmem>>
      %dma_wait3A_107 = tpu.memref_squeeze %dma_wait3A_106 : memref<1x128xi32, #tpu.memory_space<vmem>> -> memref<128xi32, #tpu.memory_space<vmem>>
      %dma_wait3A_108 = arith.constant 0 : i32
      %dma_wait3A_109 = tpu.memref_slice %arg3[%dma_wait3A_108] : memref<1601536xf32, #tpu.memory_space<hbm>> -> memref<1601536xf32, #tpu.memory_space<hbm>>
      tpu.wait_indirect_dma semaphore(%arg7 : memref<!tpu.dma_semaphore, #tpu.memory_space<semaphore_mem>>) src(%dma_wait3A_109 : memref<1601536xf32, #tpu.memory_space<hbm>>) dst(%dma_wait3A_104 : memref<128xf32, #tpu.memory_space<vmem>>)
      %mul3A_110 = arith.constant 16 : i32
      %mul3A_111 = arith.muli %scan3A_14, %mul3A_110 : i32
      %add3A_112 = arith.constant 8 : i32
      %add3A_113 = arith.addi %mul3A_111, %add3A_112 : i32
      %dma_wait3A_114 = arith.constant 0 : i32
      %dma_wait3A_115 = tpu.memref_slice %arg6[%add3A_113, %dma_wait3A_114] : memref<64x128xf32, #tpu.memory_space<vmem>> -> memref<1x128xf32, #tpu.memory_space<vmem>>
      %dma_wait3A_116 = tpu.memref_squeeze %dma_wait3A_115 : memref<1x128xf32, #tpu.memory_space<vmem>> -> memref<128xf32, #tpu.memory_space<vmem>>
      %dma_wait3A_117 = arith.constant 0 : i32
      %dma_wait3A_118 = tpu.memref_slice %arg5[%add3A_113, %dma_wait3A_117] : memref<64x128xi32, #tpu.memory_space<vmem>> -> memref<1x128xi32, #tpu.memory_space<vmem>>
      %dma_wait3A_119 = tpu.memref_squeeze %dma_wait3A_118 : memref<1x128xi32, #tpu.memory_space<vmem>> -> memref<128xi32, #tpu.memory_space<vmem>>
      %dma_wait3A_120 = arith.constant 0 : i32
      %dma_wait3A_121 = tpu.memref_slice %arg3[%dma_wait3A_120] : memref<1601536xf32, #tpu.memory_space<hbm>> -> memref<1601536xf32, #tpu.memory_space<hbm>>
      tpu.wait_indirect_dma semaphore(%arg7 : memref<!tpu.dma_semaphore, #tpu.memory_space<semaphore_mem>>) src(%dma_wait3A_121 : memref<1601536xf32, #tpu.memory_space<hbm>>) dst(%dma_wait3A_116 : memref<128xf32, #tpu.memory_space<vmem>>)
      %mul3A_122 = arith.constant 16 : i32
      %mul3A_123 = arith.muli %scan3A_14, %mul3A_122 : i32
      %add3A_124 = arith.constant 9 : i32
      %add3A_125 = arith.addi %mul3A_123, %add3A_124 : i32
      %dma_wait3A_126 = arith.constant 0 : i32
      %dma_wait3A_127 = tpu.memref_slice %arg6[%add3A_125, %dma_wait3A_126] : memref<64x128xf32, #tpu.memory_space<vmem>> -> memref<1x128xf32, #tpu.memory_space<vmem>>
      %dma_wait3A_128 = tpu.memref_squeeze %dma_wait3A_127 : memref<1x128xf32, #tpu.memory_space<vmem>> -> memref<128xf32, #tpu.memory_space<vmem>>
      %dma_wait3A_129 = arith.constant 0 : i32
      %dma_wait3A_130 = tpu.memref_slice %arg5[%add3A_125, %dma_wait3A_129] : memref<64x128xi32, #tpu.memory_space<vmem>> -> memref<1x128xi32, #tpu.memory_space<vmem>>
      %dma_wait3A_131 = tpu.memref_squeeze %dma_wait3A_130 : memref<1x128xi32, #tpu.memory_space<vmem>> -> memref<128xi32, #tpu.memory_space<vmem>>
      %dma_wait3A_132 = arith.constant 0 : i32
      %dma_wait3A_133 = tpu.memref_slice %arg3[%dma_wait3A_132] : memref<1601536xf32, #tpu.memory_space<hbm>> -> memref<1601536xf32, #tpu.memory_space<hbm>>
      tpu.wait_indirect_dma semaphore(%arg7 : memref<!tpu.dma_semaphore, #tpu.memory_space<semaphore_mem>>) src(%dma_wait3A_133 : memref<1601536xf32, #tpu.memory_space<hbm>>) dst(%dma_wait3A_128 : memref<128xf32, #tpu.memory_space<vmem>>)
      %mul3A_134 = arith.constant 16 : i32
      %mul3A_135 = arith.muli %scan3A_14, %mul3A_134 : i32
      %add3A_136 = arith.constant 10 : i32
      %add3A_137 = arith.addi %mul3A_135, %add3A_136 : i32
      %dma_wait3A_138 = arith.constant 0 : i32
      %dma_wait3A_139 = tpu.memref_slice %arg6[%add3A_137, %dma_wait3A_138] : memref<64x128xf32, #tpu.memory_space<vmem>> -> memref<1x128xf32, #tpu.memory_space<vmem>>
      %dma_wait3A_140 = tpu.memref_squeeze %dma_wait3A_139 : memref<1x128xf32, #tpu.memory_space<vmem>> -> memref<128xf32, #tpu.memory_space<vmem>>
      %dma_wait3A_141 = arith.constant 0 : i32
      %dma_wait3A_142 = tpu.memref_slice %arg5[%add3A_137, %dma_wait3A_141] : memref<64x128xi32, #tpu.memory_space<vmem>> -> memref<1x128xi32, #tpu.memory_space<vmem>>
      %dma_wait3A_143 = tpu.memref_squeeze %dma_wait3A_142 : memref<1x128xi32, #tpu.memory_space<vmem>> -> memref<128xi32, #tpu.memory_space<vmem>>
      %dma_wait3A_144 = arith.constant 0 : i32
      %dma_wait3A_145 = tpu.memref_slice %arg3[%dma_wait3A_144] : memref<1601536xf32, #tpu.memory_space<hbm>> -> memref<1601536xf32, #tpu.memory_space<hbm>>
      tpu.wait_indirect_dma semaphore(%arg7 : memref<!tpu.dma_semaphore, #tpu.memory_space<semaphore_mem>>) src(%dma_wait3A_145 : memref<1601536xf32, #tpu.memory_space<hbm>>) dst(%dma_wait3A_140 : memref<128xf32, #tpu.memory_space<vmem>>)
      %mul3A_146 = arith.constant 16 : i32
      %mul3A_147 = arith.muli %scan3A_14, %mul3A_146 : i32
      %add3A_148 = arith.constant 11 : i32
      %add3A_149 = arith.addi %mul3A_147, %add3A_148 : i32
      %dma_wait3A_150 = arith.constant 0 : i32
      %dma_wait3A_151 = tpu.memref_slice %arg6[%add3A_149, %dma_wait3A_150] : memref<64x128xf32, #tpu.memory_space<vmem>> -> memref<1x128xf32, #tpu.memory_space<vmem>>
      %dma_wait3A_152 = tpu.memref_squeeze %dma_wait3A_151 : memref<1x128xf32, #tpu.memory_space<vmem>> -> memref<128xf32, #tpu.memory_space<vmem>>
      %dma_wait3A_153 = arith.constant 0 : i32
      %dma_wait3A_154 = tpu.memref_slice %arg5[%add3A_149, %dma_wait3A_153] : memref<64x128xi32, #tpu.memory_space<vmem>> -> memref<1x128xi32, #tpu.memory_space<vmem>>
      %dma_wait3A_155 = tpu.memref_squeeze %dma_wait3A_154 : memref<1x128xi32, #tpu.memory_space<vmem>> -> memref<128xi32, #tpu.memory_space<vmem>>
      %dma_wait3A_156 = arith.constant 0 : i32
      %dma_wait3A_157 = tpu.memref_slice %arg3[%dma_wait3A_156] : memref<1601536xf32, #tpu.memory_space<hbm>> -> memref<1601536xf32, #tpu.memory_space<hbm>>
      tpu.wait_indirect_dma semaphore(%arg7 : memref<!tpu.dma_semaphore, #tpu.memory_space<semaphore_mem>>) src(%dma_wait3A_157 : memref<1601536xf32, #tpu.memory_space<hbm>>) dst(%dma_wait3A_152 : memref<128xf32, #tpu.memory_space<vmem>>)
      %mul3A_158 = arith.constant 16 : i32
      %mul3A_159 = arith.muli %scan3A_14, %mul3A_158 : i32
      %add3A_160 = arith.constant 12 : i32
      %add3A_161 = arith.addi %mul3A_159, %add3A_160 : i32
      %dma_wait3A_162 = arith.constant 0 : i32
      %dma_wait3A_163 = tpu.memref_slice %arg6[%add3A_161, %dma_wait3A_162] : memref<64x128xf32, #tpu.memory_space<vmem>> -> memref<1x128xf32, #tpu.memory_space<vmem>>
      %dma_wait3A_164 = tpu.memref_squeeze %dma_wait3A_163 : memref<1x128xf32, #tpu.memory_space<vmem>> -> memref<128xf32, #tpu.memory_space<vmem>>
      %dma_wait3A_165 = arith.constant 0 : i32
      %dma_wait3A_166 = tpu.memref_slice %arg5[%add3A_161, %dma_wait3A_165] : memref<64x128xi32, #tpu.memory_space<vmem>> -> memref<1x128xi32, #tpu.memory_space<vmem>>
      %dma_wait3A_167 = tpu.memref_squeeze %dma_wait3A_166 : memref<1x128xi32, #tpu.memory_space<vmem>> -> memref<128xi32, #tpu.memory_space<vmem>>
      %dma_wait3A_168 = arith.constant 0 : i32
      %dma_wait3A_169 = tpu.memref_slice %arg3[%dma_wait3A_168] : memref<1601536xf32, #tpu.memory_space<hbm>> -> memref<1601536xf32, #tpu.memory_space<hbm>>
      tpu.wait_indirect_dma semaphore(%arg7 : memref<!tpu.dma_semaphore, #tpu.memory_space<semaphore_mem>>) src(%dma_wait3A_169 : memref<1601536xf32, #tpu.memory_space<hbm>>) dst(%dma_wait3A_164 : memref<128xf32, #tpu.memory_space<vmem>>)
      %mul3A_170 = arith.constant 16 : i32
      %mul3A_171 = arith.muli %scan3A_14, %mul3A_170 : i32
      %add3A_172 = arith.constant 13 : i32
      %add3A_173 = arith.addi %mul3A_171, %add3A_172 : i32
      %dma_wait3A_174 = arith.constant 0 : i32
      %dma_wait3A_175 = tpu.memref_slice %arg6[%add3A_173, %dma_wait3A_174] : memref<64x128xf32, #tpu.memory_space<vmem>> -> memref<1x128xf32, #tpu.memory_space<vmem>>
      %dma_wait3A_176 = tpu.memref_squeeze %dma_wait3A_175 : memref<1x128xf32, #tpu.memory_space<vmem>> -> memref<128xf32, #tpu.memory_space<vmem>>
      %dma_wait3A_177 = arith.constant 0 : i32
      %dma_wait3A_178 = tpu.memref_slice %arg5[%add3A_173, %dma_wait3A_177] : memref<64x128xi32, #tpu.memory_space<vmem>> -> memref<1x128xi32, #tpu.memory_space<vmem>>
      %dma_wait3A_179 = tpu.memref_squeeze %dma_wait3A_178 : memref<1x128xi32, #tpu.memory_space<vmem>> -> memref<128xi32, #tpu.memory_space<vmem>>
      %dma_wait3A_180 = arith.constant 0 : i32
      %dma_wait3A_181 = tpu.memref_slice %arg3[%dma_wait3A_180] : memref<1601536xf32, #tpu.memory_space<hbm>> -> memref<1601536xf32, #tpu.memory_space<hbm>>
      tpu.wait_indirect_dma semaphore(%arg7 : memref<!tpu.dma_semaphore, #tpu.memory_space<semaphore_mem>>) src(%dma_wait3A_181 : memref<1601536xf32, #tpu.memory_space<hbm>>) dst(%dma_wait3A_176 : memref<128xf32, #tpu.memory_space<vmem>>)
      %mul3A_182 = arith.constant 16 : i32
      %mul3A_183 = arith.muli %scan3A_14, %mul3A_182 : i32
      %add3A_184 = arith.constant 14 : i32
      %add3A_185 = arith.addi %mul3A_183, %add3A_184 : i32
      %dma_wait3A_186 = arith.constant 0 : i32
      %dma_wait3A_187 = tpu.memref_slice %arg6[%add3A_185, %dma_wait3A_186] : memref<64x128xf32, #tpu.memory_space<vmem>> -> memref<1x128xf32, #tpu.memory_space<vmem>>
      %dma_wait3A_188 = tpu.memref_squeeze %dma_wait3A_187 : memref<1x128xf32, #tpu.memory_space<vmem>> -> memref<128xf32, #tpu.memory_space<vmem>>
      %dma_wait3A_189 = arith.constant 0 : i32
      %dma_wait3A_190 = tpu.memref_slice %arg5[%add3A_185, %dma_wait3A_189] : memref<64x128xi32, #tpu.memory_space<vmem>> -> memref<1x128xi32, #tpu.memory_space<vmem>>
      %dma_wait3A_191 = tpu.memref_squeeze %dma_wait3A_190 : memref<1x128xi32, #tpu.memory_space<vmem>> -> memref<128xi32, #tpu.memory_space<vmem>>
      %dma_wait3A_192 = arith.constant 0 : i32
      %dma_wait3A_193 = tpu.memref_slice %arg3[%dma_wait3A_192] : memref<1601536xf32, #tpu.memory_space<hbm>> -> memref<1601536xf32, #tpu.memory_space<hbm>>
      tpu.wait_indirect_dma semaphore(%arg7 : memref<!tpu.dma_semaphore, #tpu.memory_space<semaphore_mem>>) src(%dma_wait3A_193 : memref<1601536xf32, #tpu.memory_space<hbm>>) dst(%dma_wait3A_188 : memref<128xf32, #tpu.memory_space<vmem>>)
      %mul3A_194 = arith.constant 16 : i32
      %mul3A_195 = arith.muli %scan3A_14, %mul3A_194 : i32
      %add3A_196 = arith.constant 15 : i32
      %add3A_197 = arith.addi %mul3A_195, %add3A_196 : i32
      %dma_wait3A_198 = arith.constant 0 : i32
      %dma_wait3A_199 = tpu.memref_slice %arg6[%add3A_197, %dma_wait3A_198] : memref<64x128xf32, #tpu.memory_space<vmem>> -> memref<1x128xf32, #tpu.memory_space<vmem>>
      %dma_wait3A_200 = tpu.memref_squeeze %dma_wait3A_199 : memref<1x128xf32, #tpu.memory_space<vmem>> -> memref<128xf32, #tpu.memory_space<vmem>>
      %dma_wait3A_201 = arith.constant 0 : i32
      %dma_wait3A_202 = tpu.memref_slice %arg5[%add3A_197, %dma_wait3A_201] : memref<64x128xi32, #tpu.memory_space<vmem>> -> memref<1x128xi32, #tpu.memory_space<vmem>>
      %dma_wait3A_203 = tpu.memref_squeeze %dma_wait3A_202 : memref<1x128xi32, #tpu.memory_space<vmem>> -> memref<128xi32, #tpu.memory_space<vmem>>
      %dma_wait3A_204 = arith.constant 0 : i32
      %dma_wait3A_205 = tpu.memref_slice %arg3[%dma_wait3A_204] : memref<1601536xf32, #tpu.memory_space<hbm>> -> memref<1601536xf32, #tpu.memory_space<hbm>>
      tpu.wait_indirect_dma semaphore(%arg7 : memref<!tpu.dma_semaphore, #tpu.memory_space<semaphore_mem>>) src(%dma_wait3A_205 : memref<1601536xf32, #tpu.memory_space<hbm>>) dst(%dma_wait3A_200 : memref<128xf32, #tpu.memory_space<vmem>>)
    }
    %scan3A_13 = arith.constant 4 : i32
    "tpu.region"() ({
      %run_scoped3A = tpu.sem_alloc : memref<!tpu.dma_semaphore, #tpu.memory_space<semaphore_mem>>
      %dma_start3A = arith.constant 0 : i32
      %dma_start3A_14 = tpu.memref_slice %arg4[%mul3A_2, %dma_start3A] : memref<2048x128xf32, #tpu.memory_space<hbm>> -> memref<64x128xf32, #tpu.memory_space<hbm>>
      %dma_start3A_15 = arith.constant 0 : i32
      %dma_start3A_16 = tpu.memref_slice %arg4[%mul3A_2, %dma_start3A_15] : memref<2048x128xf32, #tpu.memory_space<hbm>> -> memref<64x128xf32, #tpu.memory_space<hbm>>
      tpu.enqueue_dma source(%arg6 : memref<64x128xf32, #tpu.memory_space<vmem>>) target(%dma_start3A_16 : memref<64x128xf32, #tpu.memory_space<hbm>>) target_semaphore(%run_scoped3A : memref<!tpu.dma_semaphore, #tpu.memory_space<semaphore_mem>>)
      %dma_wait3A = arith.constant 0 : i32
      %dma_wait3A_17 = tpu.memref_slice %arg4[%mul3A_2, %dma_wait3A] : memref<2048x128xf32, #tpu.memory_space<hbm>> -> memref<64x128xf32, #tpu.memory_space<hbm>>
      %dma_wait3A_18 = arith.constant 0 : i32
      %dma_wait3A_19 = tpu.memref_slice %arg4[%mul3A_2, %dma_wait3A_18] : memref<2048x128xf32, #tpu.memory_space<hbm>> -> memref<64x128xf32, #tpu.memory_space<hbm>>
      tpu.wait_dma2 semaphore(%run_scoped3A : memref<!tpu.dma_semaphore, #tpu.memory_space<semaphore_mem>>) src(%arg6 : memref<64x128xf32, #tpu.memory_space<vmem>>) dst(%dma_wait3A_19 : memref<64x128xf32, #tpu.memory_space<hbm>>)
      tpu.yield
    }) : () -> ()
    return
  }
}

module attributes {stable_mosaic.version = 14 : i64} {
  func.func @body(%arg0: memref<2048x128xf32, #tpu.memory_space<vmem>>, %arg1: memref<2048x128xi32, #tpu.memory_space<vmem>>, %arg2: memref<1x1xf32, #tpu.memory_space<smem>>, %arg3: memref<4x32x128xf32, #tpu.memory_space<vmem>>, %arg4: memref<4x32x128xi32, #tpu.memory_space<vmem>>) attributes {dimension_semantics = [], scalar_prefetch = 0 : i64, scratch_operands = 0 : i64, tpu.core_type = #tpu.core_type<tc>} {
    %get3A = arith.constant 0 : index
    %get3A_0 = arith.constant 0 : index
    %get3A_1 = vector.load %arg1[%get3A, %get3A_0] : memref<2048x128xi32, #tpu.memory_space<vmem>>, vector<2048x128xi32>
    %get3A_2 = arith.constant 0 : index
    %get3A_3 = arith.constant 0 : index
    %get3A_4 = vector.load %arg0[%get3A_2, %get3A_3] : memref<2048x128xf32, #tpu.memory_space<vmem>>, vector<2048x128xf32>
    %ne3A = arith.constant 0 : i32
    %ne3A_5 = vector.broadcast %ne3A : i32 to vector<2048x128xi32>
    %ne3A_6 = arith.cmpi ne, %get3A_1, %ne3A_5 : vector<2048x128xi32>
    %convert_element_type3A = arith.extui %ne3A_6 : vector<2048x128xi1> to vector<2048x128xi32>
    %convert_element_type3A_7 = arith.sitofp %convert_element_type3A : vector<2048x128xi32> to vector<2048x128xf32>
    %max3A = arith.constant 0.000000e+00 : f32
    %max3A_8 = vector.broadcast %max3A : f32 to vector<2048x128xf32>
    %max3A_9 = arith.maximumf %get3A_4, %max3A_8 : vector<2048x128xf32>
    %abs3A = math.absf %get3A_4 : vector<2048x128xf32>
    %neg3A = arith.constant 0.000000e+00 : f32
    %neg3A_10 = vector.broadcast %neg3A : f32 to vector<2048x128xf32>
    %neg3A_11 = arith.subf %neg3A_10, %abs3A : vector<2048x128xf32>
    %exp3A = math.exp %neg3A_11 : vector<2048x128xf32>
    %add3A = arith.constant 1.000000e+00 : f32
    %add3A_12 = vector.broadcast %add3A : f32 to vector<2048x128xf32>
    %add3A_13 = arith.addf %add3A_12, %exp3A : vector<2048x128xf32>
    %log3A = math.log %add3A_13 : vector<2048x128xf32>
    %add3A_14 = arith.addf %max3A_9, %log3A : vector<2048x128xf32>
    %mul3A = arith.mulf %add3A_14, %convert_element_type3A_7 : vector<2048x128xf32>
    %reshape3A = vector.shape_cast %mul3A : vector<2048x128xf32> to vector<4x2x32x8x128xf32>
    %reshape3A_15 = vector.shape_cast %convert_element_type3A_7 : vector<2048x128xf32> to vector<4x2x32x8x128xf32>
    %broadcast_in_dim3A = arith.constant 0.000000e+00 : f32
    %broadcast_in_dim3A_16 = vector.broadcast %broadcast_in_dim3A : f32 to vector<4x32x128xf32>
    %broadcast_in_dim3A_17 = arith.constant 0.000000e+00 : f32
    %broadcast_in_dim3A_18 = vector.broadcast %broadcast_in_dim3A_17 : f32 to vector<4x32x128xf32>
    %slice3A = vector.extract_strided_slice %reshape3A {offsets = [0, 0, 0, 0, 0], sizes = [4, 1, 32, 1, 128], strides = [1, 1, 1, 1, 1]} : vector<4x2x32x8x128xf32> to vector<4x1x32x1x128xf32>
    %squeeze3A = vector.shape_cast %slice3A : vector<4x1x32x1x128xf32> to vector<4x32x128xf32>
    %add3A_19 = arith.addf %broadcast_in_dim3A_16, %squeeze3A : vector<4x32x128xf32>
    %slice3A_20 = vector.extract_strided_slice %reshape3A_15 {offsets = [0, 0, 0, 0, 0], sizes = [4, 1, 32, 1, 128], strides = [1, 1, 1, 1, 1]} : vector<4x2x32x8x128xf32> to vector<4x1x32x1x128xf32>
    %squeeze3A_21 = vector.shape_cast %slice3A_20 : vector<4x1x32x1x128xf32> to vector<4x32x128xf32>
    %add3A_22 = arith.addf %broadcast_in_dim3A_18, %squeeze3A_21 : vector<4x32x128xf32>
    %slice3A_23 = vector.extract_strided_slice %reshape3A {offsets = [0, 0, 0, 1, 0], sizes = [4, 1, 32, 1, 128], strides = [1, 1, 1, 1, 1]} : vector<4x2x32x8x128xf32> to vector<4x1x32x1x128xf32>
    %squeeze3A_24 = vector.shape_cast %slice3A_23 : vector<4x1x32x1x128xf32> to vector<4x32x128xf32>
    %add3A_25 = arith.addf %add3A_19, %squeeze3A_24 : vector<4x32x128xf32>
    %slice3A_26 = vector.extract_strided_slice %reshape3A_15 {offsets = [0, 0, 0, 1, 0], sizes = [4, 1, 32, 1, 128], strides = [1, 1, 1, 1, 1]} : vector<4x2x32x8x128xf32> to vector<4x1x32x1x128xf32>
    %squeeze3A_27 = vector.shape_cast %slice3A_26 : vector<4x1x32x1x128xf32> to vector<4x32x128xf32>
    %add3A_28 = arith.addf %add3A_22, %squeeze3A_27 : vector<4x32x128xf32>
    %slice3A_29 = vector.extract_strided_slice %reshape3A {offsets = [0, 0, 0, 2, 0], sizes = [4, 1, 32, 1, 128], strides = [1, 1, 1, 1, 1]} : vector<4x2x32x8x128xf32> to vector<4x1x32x1x128xf32>
    %squeeze3A_30 = vector.shape_cast %slice3A_29 : vector<4x1x32x1x128xf32> to vector<4x32x128xf32>
    %add3A_31 = arith.addf %add3A_25, %squeeze3A_30 : vector<4x32x128xf32>
    %slice3A_32 = vector.extract_strided_slice %reshape3A_15 {offsets = [0, 0, 0, 2, 0], sizes = [4, 1, 32, 1, 128], strides = [1, 1, 1, 1, 1]} : vector<4x2x32x8x128xf32> to vector<4x1x32x1x128xf32>
    %squeeze3A_33 = vector.shape_cast %slice3A_32 : vector<4x1x32x1x128xf32> to vector<4x32x128xf32>
    %add3A_34 = arith.addf %add3A_28, %squeeze3A_33 : vector<4x32x128xf32>
    %slice3A_35 = vector.extract_strided_slice %reshape3A {offsets = [0, 0, 0, 3, 0], sizes = [4, 1, 32, 1, 128], strides = [1, 1, 1, 1, 1]} : vector<4x2x32x8x128xf32> to vector<4x1x32x1x128xf32>
    %squeeze3A_36 = vector.shape_cast %slice3A_35 : vector<4x1x32x1x128xf32> to vector<4x32x128xf32>
    %add3A_37 = arith.addf %add3A_31, %squeeze3A_36 : vector<4x32x128xf32>
    %slice3A_38 = vector.extract_strided_slice %reshape3A_15 {offsets = [0, 0, 0, 3, 0], sizes = [4, 1, 32, 1, 128], strides = [1, 1, 1, 1, 1]} : vector<4x2x32x8x128xf32> to vector<4x1x32x1x128xf32>
    %squeeze3A_39 = vector.shape_cast %slice3A_38 : vector<4x1x32x1x128xf32> to vector<4x32x128xf32>
    %add3A_40 = arith.addf %add3A_34, %squeeze3A_39 : vector<4x32x128xf32>
    %slice3A_41 = vector.extract_strided_slice %reshape3A {offsets = [0, 0, 0, 4, 0], sizes = [4, 1, 32, 1, 128], strides = [1, 1, 1, 1, 1]} : vector<4x2x32x8x128xf32> to vector<4x1x32x1x128xf32>
    %squeeze3A_42 = vector.shape_cast %slice3A_41 : vector<4x1x32x1x128xf32> to vector<4x32x128xf32>
    %add3A_43 = arith.addf %add3A_37, %squeeze3A_42 : vector<4x32x128xf32>
    %slice3A_44 = vector.extract_strided_slice %reshape3A_15 {offsets = [0, 0, 0, 4, 0], sizes = [4, 1, 32, 1, 128], strides = [1, 1, 1, 1, 1]} : vector<4x2x32x8x128xf32> to vector<4x1x32x1x128xf32>
    %squeeze3A_45 = vector.shape_cast %slice3A_44 : vector<4x1x32x1x128xf32> to vector<4x32x128xf32>
    %add3A_46 = arith.addf %add3A_40, %squeeze3A_45 : vector<4x32x128xf32>
    %slice3A_47 = vector.extract_strided_slice %reshape3A {offsets = [0, 0, 0, 5, 0], sizes = [4, 1, 32, 1, 128], strides = [1, 1, 1, 1, 1]} : vector<4x2x32x8x128xf32> to vector<4x1x32x1x128xf32>
    %squeeze3A_48 = vector.shape_cast %slice3A_47 : vector<4x1x32x1x128xf32> to vector<4x32x128xf32>
    %add3A_49 = arith.addf %add3A_43, %squeeze3A_48 : vector<4x32x128xf32>
    %slice3A_50 = vector.extract_strided_slice %reshape3A_15 {offsets = [0, 0, 0, 5, 0], sizes = [4, 1, 32, 1, 128], strides = [1, 1, 1, 1, 1]} : vector<4x2x32x8x128xf32> to vector<4x1x32x1x128xf32>
    %squeeze3A_51 = vector.shape_cast %slice3A_50 : vector<4x1x32x1x128xf32> to vector<4x32x128xf32>
    %add3A_52 = arith.addf %add3A_46, %squeeze3A_51 : vector<4x32x128xf32>
    %slice3A_53 = vector.extract_strided_slice %reshape3A {offsets = [0, 0, 0, 6, 0], sizes = [4, 1, 32, 1, 128], strides = [1, 1, 1, 1, 1]} : vector<4x2x32x8x128xf32> to vector<4x1x32x1x128xf32>
    %squeeze3A_54 = vector.shape_cast %slice3A_53 : vector<4x1x32x1x128xf32> to vector<4x32x128xf32>
    %add3A_55 = arith.addf %add3A_49, %squeeze3A_54 : vector<4x32x128xf32>
    %slice3A_56 = vector.extract_strided_slice %reshape3A_15 {offsets = [0, 0, 0, 6, 0], sizes = [4, 1, 32, 1, 128], strides = [1, 1, 1, 1, 1]} : vector<4x2x32x8x128xf32> to vector<4x1x32x1x128xf32>
    %squeeze3A_57 = vector.shape_cast %slice3A_56 : vector<4x1x32x1x128xf32> to vector<4x32x128xf32>
    %add3A_58 = arith.addf %add3A_52, %squeeze3A_57 : vector<4x32x128xf32>
    %slice3A_59 = vector.extract_strided_slice %reshape3A {offsets = [0, 0, 0, 7, 0], sizes = [4, 1, 32, 1, 128], strides = [1, 1, 1, 1, 1]} : vector<4x2x32x8x128xf32> to vector<4x1x32x1x128xf32>
    %squeeze3A_60 = vector.shape_cast %slice3A_59 : vector<4x1x32x1x128xf32> to vector<4x32x128xf32>
    %add3A_61 = arith.addf %add3A_55, %squeeze3A_60 : vector<4x32x128xf32>
    %slice3A_62 = vector.extract_strided_slice %reshape3A_15 {offsets = [0, 0, 0, 7, 0], sizes = [4, 1, 32, 1, 128], strides = [1, 1, 1, 1, 1]} : vector<4x2x32x8x128xf32> to vector<4x1x32x1x128xf32>
    %squeeze3A_63 = vector.shape_cast %slice3A_62 : vector<4x1x32x1x128xf32> to vector<4x32x128xf32>
    %add3A_64 = arith.addf %add3A_58, %squeeze3A_63 : vector<4x32x128xf32>
    %slice3A_65 = vector.extract_strided_slice %reshape3A {offsets = [0, 1, 0, 0, 0], sizes = [4, 1, 32, 1, 128], strides = [1, 1, 1, 1, 1]} : vector<4x2x32x8x128xf32> to vector<4x1x32x1x128xf32>
    %squeeze3A_66 = vector.shape_cast %slice3A_65 : vector<4x1x32x1x128xf32> to vector<4x32x128xf32>
    %add3A_67 = arith.addf %add3A_61, %squeeze3A_66 : vector<4x32x128xf32>
    %slice3A_68 = vector.extract_strided_slice %reshape3A_15 {offsets = [0, 1, 0, 0, 0], sizes = [4, 1, 32, 1, 128], strides = [1, 1, 1, 1, 1]} : vector<4x2x32x8x128xf32> to vector<4x1x32x1x128xf32>
    %squeeze3A_69 = vector.shape_cast %slice3A_68 : vector<4x1x32x1x128xf32> to vector<4x32x128xf32>
    %add3A_70 = arith.addf %add3A_64, %squeeze3A_69 : vector<4x32x128xf32>
    %slice3A_71 = vector.extract_strided_slice %reshape3A {offsets = [0, 1, 0, 1, 0], sizes = [4, 1, 32, 1, 128], strides = [1, 1, 1, 1, 1]} : vector<4x2x32x8x128xf32> to vector<4x1x32x1x128xf32>
    %squeeze3A_72 = vector.shape_cast %slice3A_71 : vector<4x1x32x1x128xf32> to vector<4x32x128xf32>
    %add3A_73 = arith.addf %add3A_67, %squeeze3A_72 : vector<4x32x128xf32>
    %slice3A_74 = vector.extract_strided_slice %reshape3A_15 {offsets = [0, 1, 0, 1, 0], sizes = [4, 1, 32, 1, 128], strides = [1, 1, 1, 1, 1]} : vector<4x2x32x8x128xf32> to vector<4x1x32x1x128xf32>
    %squeeze3A_75 = vector.shape_cast %slice3A_74 : vector<4x1x32x1x128xf32> to vector<4x32x128xf32>
    %add3A_76 = arith.addf %add3A_70, %squeeze3A_75 : vector<4x32x128xf32>
    %slice3A_77 = vector.extract_strided_slice %reshape3A {offsets = [0, 1, 0, 2, 0], sizes = [4, 1, 32, 1, 128], strides = [1, 1, 1, 1, 1]} : vector<4x2x32x8x128xf32> to vector<4x1x32x1x128xf32>
    %squeeze3A_78 = vector.shape_cast %slice3A_77 : vector<4x1x32x1x128xf32> to vector<4x32x128xf32>
    %add3A_79 = arith.addf %add3A_73, %squeeze3A_78 : vector<4x32x128xf32>
    %slice3A_80 = vector.extract_strided_slice %reshape3A_15 {offsets = [0, 1, 0, 2, 0], sizes = [4, 1, 32, 1, 128], strides = [1, 1, 1, 1, 1]} : vector<4x2x32x8x128xf32> to vector<4x1x32x1x128xf32>
    %squeeze3A_81 = vector.shape_cast %slice3A_80 : vector<4x1x32x1x128xf32> to vector<4x32x128xf32>
    %add3A_82 = arith.addf %add3A_76, %squeeze3A_81 : vector<4x32x128xf32>
    %slice3A_83 = vector.extract_strided_slice %reshape3A {offsets = [0, 1, 0, 3, 0], sizes = [4, 1, 32, 1, 128], strides = [1, 1, 1, 1, 1]} : vector<4x2x32x8x128xf32> to vector<4x1x32x1x128xf32>
    %squeeze3A_84 = vector.shape_cast %slice3A_83 : vector<4x1x32x1x128xf32> to vector<4x32x128xf32>
    %add3A_85 = arith.addf %add3A_79, %squeeze3A_84 : vector<4x32x128xf32>
    %slice3A_86 = vector.extract_strided_slice %reshape3A_15 {offsets = [0, 1, 0, 3, 0], sizes = [4, 1, 32, 1, 128], strides = [1, 1, 1, 1, 1]} : vector<4x2x32x8x128xf32> to vector<4x1x32x1x128xf32>
    %squeeze3A_87 = vector.shape_cast %slice3A_86 : vector<4x1x32x1x128xf32> to vector<4x32x128xf32>
    %add3A_88 = arith.addf %add3A_82, %squeeze3A_87 : vector<4x32x128xf32>
    %slice3A_89 = vector.extract_strided_slice %reshape3A {offsets = [0, 1, 0, 4, 0], sizes = [4, 1, 32, 1, 128], strides = [1, 1, 1, 1, 1]} : vector<4x2x32x8x128xf32> to vector<4x1x32x1x128xf32>
    %squeeze3A_90 = vector.shape_cast %slice3A_89 : vector<4x1x32x1x128xf32> to vector<4x32x128xf32>
    %add3A_91 = arith.addf %add3A_85, %squeeze3A_90 : vector<4x32x128xf32>
    %slice3A_92 = vector.extract_strided_slice %reshape3A_15 {offsets = [0, 1, 0, 4, 0], sizes = [4, 1, 32, 1, 128], strides = [1, 1, 1, 1, 1]} : vector<4x2x32x8x128xf32> to vector<4x1x32x1x128xf32>
    %squeeze3A_93 = vector.shape_cast %slice3A_92 : vector<4x1x32x1x128xf32> to vector<4x32x128xf32>
    %add3A_94 = arith.addf %add3A_88, %squeeze3A_93 : vector<4x32x128xf32>
    %slice3A_95 = vector.extract_strided_slice %reshape3A {offsets = [0, 1, 0, 5, 0], sizes = [4, 1, 32, 1, 128], strides = [1, 1, 1, 1, 1]} : vector<4x2x32x8x128xf32> to vector<4x1x32x1x128xf32>
    %squeeze3A_96 = vector.shape_cast %slice3A_95 : vector<4x1x32x1x128xf32> to vector<4x32x128xf32>
    %add3A_97 = arith.addf %add3A_91, %squeeze3A_96 : vector<4x32x128xf32>
    %slice3A_98 = vector.extract_strided_slice %reshape3A_15 {offsets = [0, 1, 0, 5, 0], sizes = [4, 1, 32, 1, 128], strides = [1, 1, 1, 1, 1]} : vector<4x2x32x8x128xf32> to vector<4x1x32x1x128xf32>
    %squeeze3A_99 = vector.shape_cast %slice3A_98 : vector<4x1x32x1x128xf32> to vector<4x32x128xf32>
    %add3A_100 = arith.addf %add3A_94, %squeeze3A_99 : vector<4x32x128xf32>
    %slice3A_101 = vector.extract_strided_slice %reshape3A {offsets = [0, 1, 0, 6, 0], sizes = [4, 1, 32, 1, 128], strides = [1, 1, 1, 1, 1]} : vector<4x2x32x8x128xf32> to vector<4x1x32x1x128xf32>
    %squeeze3A_102 = vector.shape_cast %slice3A_101 : vector<4x1x32x1x128xf32> to vector<4x32x128xf32>
    %add3A_103 = arith.addf %add3A_97, %squeeze3A_102 : vector<4x32x128xf32>
    %slice3A_104 = vector.extract_strided_slice %reshape3A_15 {offsets = [0, 1, 0, 6, 0], sizes = [4, 1, 32, 1, 128], strides = [1, 1, 1, 1, 1]} : vector<4x2x32x8x128xf32> to vector<4x1x32x1x128xf32>
    %squeeze3A_105 = vector.shape_cast %slice3A_104 : vector<4x1x32x1x128xf32> to vector<4x32x128xf32>
    %add3A_106 = arith.addf %add3A_100, %squeeze3A_105 : vector<4x32x128xf32>
    %slice3A_107 = vector.extract_strided_slice %reshape3A {offsets = [0, 1, 0, 7, 0], sizes = [4, 1, 32, 1, 128], strides = [1, 1, 1, 1, 1]} : vector<4x2x32x8x128xf32> to vector<4x1x32x1x128xf32>
    %squeeze3A_108 = vector.shape_cast %slice3A_107 : vector<4x1x32x1x128xf32> to vector<4x32x128xf32>
    %add3A_109 = arith.addf %add3A_103, %squeeze3A_108 : vector<4x32x128xf32>
    %slice3A_110 = vector.extract_strided_slice %reshape3A_15 {offsets = [0, 1, 0, 7, 0], sizes = [4, 1, 32, 1, 128], strides = [1, 1, 1, 1, 1]} : vector<4x2x32x8x128xf32> to vector<4x1x32x1x128xf32>
    %squeeze3A_111 = vector.shape_cast %slice3A_110 : vector<4x1x32x1x128xf32> to vector<4x32x128xf32>
    %add3A_112 = arith.addf %add3A_106, %squeeze3A_111 : vector<4x32x128xf32>
    %gt3A = arith.constant 0.000000e+00 : f32
    %gt3A_113 = vector.broadcast %gt3A : f32 to vector<4x32x128xf32>
    %gt3A_114 = arith.cmpf ogt, %add3A_112, %gt3A_113 : vector<4x32x128xf32>
    %get3A_115 = arith.constant 0 : index
    %get3A_116 = arith.constant 0 : index
    %get3A_117 = memref.load %arg2[%get3A_115, %get3A_116] : memref<1x1xf32, #tpu.memory_space<smem>>
    %broadcast_in_dim3A_118 = vector.broadcast %get3A_117 : f32 to vector<4x32x128xf32>
    %select_n3A = arith.select %gt3A_114, %add3A_109, %broadcast_in_dim3A_118 : vector<4x32x128xi1>, vector<4x32x128xf32>
    %swap3A = arith.constant 0 : index
    %swap3A_119 = arith.constant 0 : index
    %swap3A_120 = arith.constant 0 : index
    %swap3A_121 = vector.load %arg3[%swap3A, %swap3A_119, %swap3A_120] : memref<4x32x128xf32, #tpu.memory_space<vmem>>, vector<4x32x128xf32>
    tpu.vector_store %arg3[%swap3A, %swap3A_119, %swap3A_120], %select_n3A {strides = array<i32>} : memref<4x32x128xf32, #tpu.memory_space<vmem>>, vector<4x32x128xf32>,
    %convert_element_type3A_122 = arith.extui %gt3A_114 : vector<4x32x128xi1> to vector<4x32x128xi32>
    %swap3A_123 = arith.constant 0 : index
    %swap3A_124 = arith.constant 0 : index
    %swap3A_125 = arith.constant 0 : index
    %swap3A_126 = vector.load %arg4[%swap3A_123, %swap3A_124, %swap3A_125] : memref<4x32x128xi32, #tpu.memory_space<vmem>>, vector<4x32x128xi32>
    tpu.vector_store %arg4[%swap3A_123, %swap3A_124, %swap3A_125], %convert_element_type3A_122 {strides = array<i32>} : memref<4x32x128xi32, #tpu.memory_space<vmem>>, vector<4x32x128xi32>,
    return
  }
}

module attributes {stable_mosaic.version = 14 : i64} {
  func.func @body(%arg0: memref<2048x128xf32, #tpu.memory_space<vmem>>, %arg1: memref<4x32x128xf32, #tpu.memory_space<vmem>>) attributes {dimension_semantics = [], scalar_prefetch = 0 : i64, scratch_operands = 0 : i64, tpu.core_type = #tpu.core_type<tc>} {
    %get3A = arith.constant 0 : index
    %get3A_0 = arith.constant 0 : index
    %get3A_1 = vector.load %arg0[%get3A, %get3A_0] : memref<2048x128xf32, #tpu.memory_space<vmem>>, vector<2048x128xf32>
    %min3A = arith.constant 0.000000e+00 : f32
    %min3A_2 = vector.broadcast %min3A : f32 to vector<2048x128xf32>
    %min3A_3 = arith.minimumf %get3A_1, %min3A_2 : vector<2048x128xf32>
    %abs3A = math.absf %get3A_1 : vector<2048x128xf32>
    %neg3A = arith.constant 0.000000e+00 : f32
    %neg3A_4 = vector.broadcast %neg3A : f32 to vector<2048x128xf32>
    %neg3A_5 = arith.subf %neg3A_4, %abs3A : vector<2048x128xf32>
    %exp3A = math.exp %neg3A_5 : vector<2048x128xf32>
    %add3A = arith.constant 1.000000e+00 : f32
    %add3A_6 = vector.broadcast %add3A : f32 to vector<2048x128xf32>
    %add3A_7 = arith.addf %add3A_6, %exp3A : vector<2048x128xf32>
    %log3A = math.log %add3A_7 : vector<2048x128xf32>
    %sub3A = arith.subf %min3A_3, %log3A : vector<2048x128xf32>
    %reshape3A = vector.shape_cast %sub3A : vector<2048x128xf32> to vector<4x2x32x8x128xf32>
    %broadcast_in_dim3A = arith.constant 0.000000e+00 : f32
    %broadcast_in_dim3A_8 = vector.broadcast %broadcast_in_dim3A : f32 to vector<4x32x128xf32>
    %slice3A = vector.extract_strided_slice %reshape3A {offsets = [0, 0, 0, 0, 0], sizes = [4, 1, 32, 1, 128], strides = [1, 1, 1, 1, 1]} : vector<4x2x32x8x128xf32> to vector<4x1x32x1x128xf32>
    %squeeze3A = vector.shape_cast %slice3A : vector<4x1x32x1x128xf32> to vector<4x32x128xf32>
    %add3A_9 = arith.addf %broadcast_in_dim3A_8, %squeeze3A : vector<4x32x128xf32>
    %slice3A_10 = vector.extract_strided_slice %reshape3A {offsets = [0, 0, 0, 1, 0], sizes = [4, 1, 32, 1, 128], strides = [1, 1, 1, 1, 1]} : vector<4x2x32x8x128xf32> to vector<4x1x32x1x128xf32>
    %squeeze3A_11 = vector.shape_cast %slice3A_10 : vector<4x1x32x1x128xf32> to vector<4x32x128xf32>
    %add3A_12 = arith.addf %add3A_9, %squeeze3A_11 : vector<4x32x128xf32>
    %slice3A_13 = vector.extract_strided_slice %reshape3A {offsets = [0, 0, 0, 2, 0], sizes = [4, 1, 32, 1, 128], strides = [1, 1, 1, 1, 1]} : vector<4x2x32x8x128xf32> to vector<4x1x32x1x128xf32>
    %squeeze3A_14 = vector.shape_cast %slice3A_13 : vector<4x1x32x1x128xf32> to vector<4x32x128xf32>
    %add3A_15 = arith.addf %add3A_12, %squeeze3A_14 : vector<4x32x128xf32>
    %slice3A_16 = vector.extract_strided_slice %reshape3A {offsets = [0, 0, 0, 3, 0], sizes = [4, 1, 32, 1, 128], strides = [1, 1, 1, 1, 1]} : vector<4x2x32x8x128xf32> to vector<4x1x32x1x128xf32>
    %squeeze3A_17 = vector.shape_cast %slice3A_16 : vector<4x1x32x1x128xf32> to vector<4x32x128xf32>
    %add3A_18 = arith.addf %add3A_15, %squeeze3A_17 : vector<4x32x128xf32>
    %slice3A_19 = vector.extract_strided_slice %reshape3A {offsets = [0, 0, 0, 4, 0], sizes = [4, 1, 32, 1, 128], strides = [1, 1, 1, 1, 1]} : vector<4x2x32x8x128xf32> to vector<4x1x32x1x128xf32>
    %squeeze3A_20 = vector.shape_cast %slice3A_19 : vector<4x1x32x1x128xf32> to vector<4x32x128xf32>
    %add3A_21 = arith.addf %add3A_18, %squeeze3A_20 : vector<4x32x128xf32>
    %slice3A_22 = vector.extract_strided_slice %reshape3A {offsets = [0, 0, 0, 5, 0], sizes = [4, 1, 32, 1, 128], strides = [1, 1, 1, 1, 1]} : vector<4x2x32x8x128xf32> to vector<4x1x32x1x128xf32>
    %squeeze3A_23 = vector.shape_cast %slice3A_22 : vector<4x1x32x1x128xf32> to vector<4x32x128xf32>
    %add3A_24 = arith.addf %add3A_21, %squeeze3A_23 : vector<4x32x128xf32>
    %slice3A_25 = vector.extract_strided_slice %reshape3A {offsets = [0, 0, 0, 6, 0], sizes = [4, 1, 32, 1, 128], strides = [1, 1, 1, 1, 1]} : vector<4x2x32x8x128xf32> to vector<4x1x32x1x128xf32>
    %squeeze3A_26 = vector.shape_cast %slice3A_25 : vector<4x1x32x1x128xf32> to vector<4x32x128xf32>
    %add3A_27 = arith.addf %add3A_24, %squeeze3A_26 : vector<4x32x128xf32>
    %slice3A_28 = vector.extract_strided_slice %reshape3A {offsets = [0, 0, 0, 7, 0], sizes = [4, 1, 32, 1, 128], strides = [1, 1, 1, 1, 1]} : vector<4x2x32x8x128xf32> to vector<4x1x32x1x128xf32>
    %squeeze3A_29 = vector.shape_cast %slice3A_28 : vector<4x1x32x1x128xf32> to vector<4x32x128xf32>
    %add3A_30 = arith.addf %add3A_27, %squeeze3A_29 : vector<4x32x128xf32>
    %slice3A_31 = vector.extract_strided_slice %reshape3A {offsets = [0, 1, 0, 0, 0], sizes = [4, 1, 32, 1, 128], strides = [1, 1, 1, 1, 1]} : vector<4x2x32x8x128xf32> to vector<4x1x32x1x128xf32>
    %squeeze3A_32 = vector.shape_cast %slice3A_31 : vector<4x1x32x1x128xf32> to vector<4x32x128xf32>
    %add3A_33 = arith.addf %add3A_30, %squeeze3A_32 : vector<4x32x128xf32>
    %slice3A_34 = vector.extract_strided_slice %reshape3A {offsets = [0, 1, 0, 1, 0], sizes = [4, 1, 32, 1, 128], strides = [1, 1, 1, 1, 1]} : vector<4x2x32x8x128xf32> to vector<4x1x32x1x128xf32>
    %squeeze3A_35 = vector.shape_cast %slice3A_34 : vector<4x1x32x1x128xf32> to vector<4x32x128xf32>
    %add3A_36 = arith.addf %add3A_33, %squeeze3A_35 : vector<4x32x128xf32>
    %slice3A_37 = vector.extract_strided_slice %reshape3A {offsets = [0, 1, 0, 2, 0], sizes = [4, 1, 32, 1, 128], strides = [1, 1, 1, 1, 1]} : vector<4x2x32x8x128xf32> to vector<4x1x32x1x128xf32>
    %squeeze3A_38 = vector.shape_cast %slice3A_37 : vector<4x1x32x1x128xf32> to vector<4x32x128xf32>
    %add3A_39 = arith.addf %add3A_36, %squeeze3A_38 : vector<4x32x128xf32>
    %slice3A_40 = vector.extract_strided_slice %reshape3A {offsets = [0, 1, 0, 3, 0], sizes = [4, 1, 32, 1, 128], strides = [1, 1, 1, 1, 1]} : vector<4x2x32x8x128xf32> to vector<4x1x32x1x128xf32>
    %squeeze3A_41 = vector.shape_cast %slice3A_40 : vector<4x1x32x1x128xf32> to vector<4x32x128xf32>
    %add3A_42 = arith.addf %add3A_39, %squeeze3A_41 : vector<4x32x128xf32>
    %slice3A_43 = vector.extract_strided_slice %reshape3A {offsets = [0, 1, 0, 4, 0], sizes = [4, 1, 32, 1, 128], strides = [1, 1, 1, 1, 1]} : vector<4x2x32x8x128xf32> to vector<4x1x32x1x128xf32>
    %squeeze3A_44 = vector.shape_cast %slice3A_43 : vector<4x1x32x1x128xf32> to vector<4x32x128xf32>
    %add3A_45 = arith.addf %add3A_42, %squeeze3A_44 : vector<4x32x128xf32>
    %slice3A_46 = vector.extract_strided_slice %reshape3A {offsets = [0, 1, 0, 5, 0], sizes = [4, 1, 32, 1, 128], strides = [1, 1, 1, 1, 1]} : vector<4x2x32x8x128xf32> to vector<4x1x32x1x128xf32>
    %squeeze3A_47 = vector.shape_cast %slice3A_46 : vector<4x1x32x1x128xf32> to vector<4x32x128xf32>
    %add3A_48 = arith.addf %add3A_45, %squeeze3A_47 : vector<4x32x128xf32>
    %slice3A_49 = vector.extract_strided_slice %reshape3A {offsets = [0, 1, 0, 6, 0], sizes = [4, 1, 32, 1, 128], strides = [1, 1, 1, 1, 1]} : vector<4x2x32x8x128xf32> to vector<4x1x32x1x128xf32>
    %squeeze3A_50 = vector.shape_cast %slice3A_49 : vector<4x1x32x1x128xf32> to vector<4x32x128xf32>
    %add3A_51 = arith.addf %add3A_48, %squeeze3A_50 : vector<4x32x128xf32>
    %slice3A_52 = vector.extract_strided_slice %reshape3A {offsets = [0, 1, 0, 7, 0], sizes = [4, 1, 32, 1, 128], strides = [1, 1, 1, 1, 1]} : vector<4x2x32x8x128xf32> to vector<4x1x32x1x128xf32>
    %squeeze3A_53 = vector.shape_cast %slice3A_52 : vector<4x1x32x1x128xf32> to vector<4x32x128xf32>
    %add3A_54 = arith.addf %add3A_51, %squeeze3A_53 : vector<4x32x128xf32>
    %swap3A = arith.constant 0 : index
    %swap3A_55 = arith.constant 0 : index
    %swap3A_56 = arith.constant 0 : index
    %swap3A_57 = vector.load %arg1[%swap3A, %swap3A_55, %swap3A_56] : memref<4x32x128xf32, #tpu.memory_space<vmem>>, vector<4x32x128xf32>
    tpu.vector_store %arg1[%swap3A, %swap3A_55, %swap3A_56], %add3A_54 {strides = array<i32>} : memref<4x32x128xf32, #tpu.memory_space<vmem>>, vector<4x32x128xf32>,
    return
  }
}

</mosaic_0001>

<sc_bundles>
// kernel: kernel.6.cloned.1.call-start
scs
__scs_entry_jumppad:
0x0: {  	(pc) =	sbr.rel $0x88, $3  }
0x1: {  	(tag) =	ssettag $0x0;
	lr =	simm.s32 $0x1  }
0x2: {  	[smem:$0x3F9D] =	sst lr;
	_ =	strace $0xD0000000  }
0x3: {  	_ = 	snop  }
0x4: {  	_ = 	snop  }
0x5: {  	_ = 	snop  }
0x6: {  	_ = 	snop  }
0x7: {  	_ = 	snop  }
__scs_overlays_trampoline_lowered:
0x8: {  	[smem:$0x3FAC] =	sst s0  }
0x9: {  	[smem:$0x3FAD] =	sst s1  }
0xa: {  	[smem:$0x3FAE] =	sst s2  }
0xb: {  	[smem:$0x3FAF] =	sst s3  }
0xc: {  	[smem:$0x3FB0] =	sst s4  }
0xd: {  	[smem:$0x3FB1] =	sst s5  }
0xe: {  	[smem:$0x3FB2] =	sst s6  }
0xf: {  	[smem:$0x3FB3] =	sst s7  }
0x10: {  	[smem:$0x3FB4] =	sst s8  }
0x11: {  	[smem:$0x3FB5] =	sst s9;
	s0 =	simm.s32 @!p0 $0x0  }
0x12: {  	s1 =	sld [smem:$0x3F9B];
	s0 =	simm.s32 @p0 $0x1  }
0x13: {  	[smem:$0x3FB6] =	sst s0;
	s0 =	simm.s32 @!p1 $0x0  }
0x14: {  	s2 =	sld [smem:$0x3F9A];
	s0 =	simm.s32 @p1 $0x1  }
0x15: {  	[smem:$0x3FB7] =	sst s0;
	s0 =	simm.s32 @!p2 $0x0  }
0x16: {  	s3 =	sld [smem:$0x3FDB];
	s0 =	simm.s32 @p2 $0x1  }
0x17: {  	s4 =	simm.s32 $0x1BF5;
	[smem:$0x3FB9] =	sst s0  }
0x18: {  	s0 =	sld [smem:$0x3F9C];
	_ =	swait.ge [sflag:s4], $0x0  }
0x19: {  	s7 =	sld [smem:$0x3F9D]  }
0x1a: {  	s8 =	sadd.s32 $0xFFFFE003, lr  }
0x1b: {  	s9 =	sadd.s32 $0xFFFFFEF7, lr;
	s5 =	simm.s32 $0xFFFFFFFF;
	p2 =	slt.u32 s8, $0xFFFFF086  }
0x1c: {  	p1 =	slt.u32 s9, $0xF7A;
	s5 =	simm.s32 @!p2 $0x0  }
0x1d: {  	s5 =	simm.s32 @p1 $0x1;
	p0 =	seq.s32 s7, s2  }
0x1e: {  	s7 =	smul.u32 @!p0 $0xF7A, s2;
	p2 =	seq.s32 @!p0 s5, $0x0  }
0x1f: {  	s9 =	smul.u32 $0xF7A, s1;
	s8 =	simm.s32 @!p0 $0x1BF5;
	p2 =	por !p2, p0  }
0x20: {  	[sflag:s8] =	ssyncset.s32 @!p0 $0xFFFFF086;
	s6 =	sadd.s32 @!p0 s3, s7;
	s7 =	simm.s32 @!p0 $0x108  }
0x21: {  	s3 =	sadd.s32 s3, s9;
	s6 =	sadd.s32 @!p0 $0x88, s6;
	s7 =	simm.s32 @p2 $0x1082  }
0x22: {  	[simem:s7], [sflag:s8] =	dma.local @!p0 [hbm:s6], $0xF7A  }
0x23: {  	s9 =	sor.u32 $0xD0000000, s2;
	s6 =	simm.s32 $0x108;
	_ =	swait.ge @!p0 [sflag:s8], $0x0  }
0x24: {  	s3 =	sadd.s32 $0x88, s3;
	s6 =	simm.s32 @!p1 $0x1082;
	[sflag:s4] =	ssyncset.s32 $0xFFFFF086  }
0x25: {  	[simem:s6], [sflag:s4] =	dma.local [hbm:s3], $0xF7A  }
0x26: {  	[smem:$0x3F9D] =	sst s1;
	(tag) =	ssettag s2;
	_ =	strace s9  }
0x27: {  	s1 =	sld [smem:$0x3FAD]  }
0x28: {  	s2 =	sld [smem:$0x3FAE]  }
0x29: {  	s4 =	sld [smem:$0x3FB0]  }
0x2a: {  	p0 =	seq.s32 s5, $0x0;
	s5 =	sld [smem:$0x3FB1]  }
0x2b: {  	s6 =	sld [smem:$0x3FB2]  }
0x2c: {  	s7 =	sld [smem:$0x3FB3]  }
0x2d: {  	s3 =	simm.s32 $0x108;
	s8 =	sld [smem:$0x3FB4]  }
0x2e: {  	s3 =	simm.s32 @!p0 $0x1082;
	s9 =	sld [smem:$0x3FB5]  }
0x2f: {  	lr =	sadd.s32 s0, s3;
	s0 =	sld [smem:$0x3FAC]  }
0x30: {  	s3 =	sld [smem:$0x3FAF]  }
0x31: {  	[smem:$0x3FB8] =	sst s10  }
0x32: {  	s10 =	sld [smem:$0x3FB6];
	_ =	sdelay $0x3  }
0x33: {  	p0 =	seq.s32 s10, $0x1;
	s10 =	sld [smem:$0x3FB8];
	_ =	sdelay $0x3  }
0x34: {  	[smem:$0x3FB8] =	sst s10  }
0x35: {  	s10 =	sld [smem:$0x3FB7];
	_ =	sdelay $0x3  }
0x36: {  	p1 =	seq.s32 s10, $0x1;
	s10 =	sld [smem:$0x3FB8];
	_ =	sdelay $0x3  }
0x37: {  	[smem:$0x3FB8] =	sst s10  }
0x38: {  	s10 =	sld [smem:$0x3FB9]  }
0x39: {  	_ = 	snop;
	(pc) =	sbr.ind lr, $3  }
0x3a: {  	_ = 	snop  }
0x3b: {  	_ = 	snop  }
0x3c: {  	p2 =	seq.s32 s10, $0x1;
	s10 =	sld [smem:$0x3FB8]  }
0x3d: {  	_ =	shalt  }
0x3e: {  	_ =	shalt  }
0x3f: {  	_ =	shalt  }
0x40: {  	_ =	shalt  }
0x41: {  	_ =	shalt  }
0x42: {  	_ =	shalt  }
0x43: {  	_ =	shalt  }
0x44: {  	_ =	shalt  }
0x45: {  	_ =	shalt  }
0x46: {  	_ =	shalt  }
0x47: {  	_ =	shalt  }
0x48: {  	_ =	shalt  }
0x49: {  	_ =	shalt  }
0x4a: {  	_ =	shalt  }
0x4b: {  	_ =	shalt  }
0x4c: {  	_ =	shalt  }
0x4d: {  	_ =	shalt  }
0x4e: {  	_ =	shalt  }
0x4f: {  	_ =	shalt  }
0x50: {  	_ =	shalt  }
0x51: {  	_ =	shalt  }
0x52: {  	_ =	shalt  }
0x53: {  	_ =	shalt  }
0x54: {  	_ =	shalt  }
0x55: {  	_ =	shalt  }
0x56: {  	_ =	shalt  }
0x57: {  	_ =	shalt  }
0x58: {  	_ =	shalt  }
0x59: {  	_ =	shalt  }
0x5a: {  	_ =	shalt  }
0x5b: {  	_ =	shalt  }
0x5c: {  	_ =	shalt  }
0x5d: {  	_ =	shalt  }
0x5e: {  	_ =	shalt  }
0x5f: {  	_ =	shalt  }
0x60: {  	_ =	shalt  }
0x61: {  	_ =	shalt  }
0x62: {  	_ =	shalt  }
0x63: {  	_ =	shalt  }
0x64: {  	_ =	shalt  }
0x65: {  	_ =	shalt  }
0x66: {  	_ =	shalt  }
0x67: {  	_ =	shalt  }
0x68: {  	_ =	shalt  }
0x69: {  	_ =	shalt  }
0x6a: {  	_ =	shalt  }
0x6b: {  	_ =	shalt  }
0x6c: {  	_ =	shalt  }
0x6d: {  	_ =	shalt  }
0x6e: {  	_ =	shalt  }
0x6f: {  	_ =	shalt  }
0x70: {  	_ =	shalt  }
0x71: {  	_ =	shalt  }
0x72: {  	_ =	shalt  }
0x73: {  	_ =	shalt  }
0x74: {  	_ =	shalt  }
0x75: {  	_ =	shalt  }
0x76: {  	_ =	shalt  }
0x77: {  	_ =	shalt  }
0x78: {  	_ =	shalt  }
0x79: {  	_ =	shalt  }
0x7a: {  	_ =	shalt  }
0x7b: {  	_ =	shalt  }
0x7c: {  	_ =	shalt  }
0x7d: {  	_ =	shalt  }
0x7e: {  	_ =	shalt  }
0x7f: {  	_ =	shalt  }
0x80: {  	_ =	shalt  }
0x81: {  	_ =	shalt  }
0x82: {  	_ =	shalt  }
0x83: {  	_ =	shalt  }
0x84: {  	_ =	shalt  }
0x85: {  	_ =	shalt  }
0x86: {  	_ =	shalt  }
0x87: {  	_ =	shalt  }
.Lfunc_end0:
.L_simem_size_0:
called_computation_lowered:
.L_overlay_start_0:
0x88: {  	s2 =	sld [smem:$0x3FD9]  }
0x89: {  	s3 =	sld [smem:$0x3FFE];
	_ =	sdelay $0x1  }
0x8a: {  	s1 =	srdreg.scid  }
0x8b: {  	s0 =	sand.u32 $0x1, s1  }
0x8c: {  	s17 =	sshll.u32 s0, $0xA;
	s2 =	sadd.s32 s3, s2  }
0x8d: {  	s2 =	sadd.s32 s2, s17  }
0x8e: {  	[smem:$0x3FC4] =	sst s2  }
0x8f: {  	_ = 	snop  }
0x90: {  	s2 =	sld [smem:$0x3FC9];
	(tm) =	ssettm $0x1  }
0x91: {  	s18 =	sld [smem:$0x3FFB];
	_ =	sdelay $0x3  }
0x92: {  	_ =	strace s18  }
0x93: {  	s3 =	sld [smem:$0x3FFC];
	_ =	sdelay $0x3  }
0x94: {  	_ =	strace s3  }
0x95: {  	s3 =	sld [smem:$0x3FFD];
	_ =	sdelay $0x3  }
0x96: {  	_ =	strace s3  }
0x97: {  	_ =	strace $0x8FFFFFFF  }
0x98: {  	s19 =	sld [smem:$0x3FDB];
	_ =	sdelay $0x1  }
0x99: {  	s4 =	simm.s32 $_scs_section_size  }
0x9a: {  	s5 =	simm.s32 $_size__tile_overlayer_lowered;
	s6 =	simm.s32 $_tile_overlayer_lowered  }
0x9b: {  	s22 =	simm.s32 $0x1BFF;
	s21 =	sshll.u32 s6, $0x1;
	s3 =	sadd.s32 s4, s19  }
0x9c: {  	s7 =	simm.s32 $0x0;
	s20 =	sshll.u32 s5, $0x1;
	s5 =	sadd.s32 s21, s3  }
0x9d: {  	[timem:s7], [sflag:s22] =	dma.local [hbm:s5], s20  }
0x9e: {  	_ =	swait.ge [sflag:s22], s20  }
0x9f: {  	s4 =	ssub.s32 $0x0, s20;
	[sflag:s22] =	ssyncset.done $0x0  }
0xa0: {  	[sflag:s22] =	ssyncadd.s32 s4;
	_ =	sdelay $0x1  }
0xa1: {  	s23 =	simm.s32 $0x1B8B  }
0xa2: {  	_ =	swait.ge [sflag:s23], $0x1  }
0xa3: {  	[sflag:s23] =	ssyncset.done $0x0  }
0xa4: {  	s25 =	simm.s32 $0x1B8E;
	s24 =	sld [smem:$0x3FFE];
	[sflag:s23] =	ssyncadd.s32 $0xFFFFFFFF  }
0xa5: {  	s26 =	simm.s32 $execute0_lowered;
	[smem:$0x3FD2] =	sst s25  }
0xa6: {  	s5 =	sshll.u32 s26, $0x1;
	_ =	strace $0x80000046;
	[dreg:$0x1] =	wrdreg $0xFFFFFFFF  }
0xa7: {  	s28 =	simm.s32 $_size_execute0_lowered;
	s3 =	sadd.s32 s3, s5;
	[dreg:$0x0] =	wrdreg $0x0  }
0xa8: {  	s5 =	sshll.u32 s28, $0x1;
	[dreg:$0x2] =	wrdreg s3  }
0xa9: {  	[dreg:$0x3] =	wrdreg s5  }
0xaa: {  	[dreg:$0x4] =	wrdreg $0xC0  }
0xab: {  	_ =	task [dreg:s7], $0x5FFFF  }
0xac: {  	[dreg:$0x1] =	wrdreg $0xFFFFFFFF  }
0xad: {  	[dreg:$0x0] =	wrdreg $0x60  }
0xae: {  	[dreg:$0x2] =	wrdreg s2  }
0xaf: {  	[dreg:$0x3] =	wrdreg s24  }
0xb0: {  	[dreg:$0x4] =	wrdreg $0x9  }
0xb1: {  	_ =	task.clear_ibuf [dreg:s7], $0x5FFFF;
	_ =	strace $0x90000046  }
0xb2: {  	s29 =	simm.s32 $0x9;
	_ =	strace $0x80000048  }
0xb3: {  	_ =	swait.ge [sflag:s29], $0x1  }
0xb4: {  	[sflag:s29] =	ssyncadd.s32 $0xFFFFFFFF  }
0xb5: {  	_ =	strace $0x90000048  }
0xb6: {  	_ =	sfence  }
0xb7: {  	s30 =	sld [smem:$0x0];
	_ =	sdelay $0x2  }
0xb8: {  	s31 =	sshll.u32 s1, $0xD;
	s1 =	sshrl.u32 s1, $0x2  }
0xb9: {  	s3 =	sand.u32 $0x4000, s31;
	s1 =	sadd.s32 s1, s30  }
0xba: {  	s0 =	sor.u32 s3, s0;
	s1 =	sshll.u32 s1, $0x11  }
0xbb: {  	s0 =	sor.u32 s1, s0  }
0xbc: {  	s0 =	sadd.s32 $0x8F2B, s0  }
0xbd: {  	[sflag:s0] =	ssyncadd.remote.s32 $0x1  }
0xbe: {  	_ =	sfence.sel $0xFFFF  }
0xbf: {  	[dreg:$0x0] =	wrdreg $0xFFFFFFFF;
	(pc) =	sbr.abs _section_cstart, $3  }
0xc0: {  	[dreg:$0x1] =	wrdreg $0xFFFFFFFF  }
0xc1: {  	_ =	task.clear_ibuf [dreg:s7], $0x2FFFF;
	_ =	strace $0x9FFFFFFF  }
0xc2: {  	(tm) =	ssettm $0x7FFFFFFF  }
0xc3: {  	_ =	shalt  }
tec
execute0_lowered:
.L_overlay_start_1:
0x0: {  	(tag) =	ssettag $0x1  }
0x1: {  	s0 =	rddreg [dreg:$0x0]  }
0x2: {  	s1 =	rddreg [dreg:$0x1];
	s2 =	simm.s32 $0x0;
	s3 =	srdreg.scid  }
0x3: {  	s4 =	stileid.u32;
	s7 =	simm.s32 $0x2;
	s8 =	simm.s32 $0x80  }
0x4: {  	s9 =	simm.s32 $0x2000;
	s24 =	simm.s32 $0x3B00;
	s25 =	simm.s32 $0x1B80  }
0x5: {  	s28 =	simm.s32 $0x1C00;
	s29 =	simm.s32 $0x3C00;
	s30 =	simm.s32 $0x1C80  }
0x6: {  	s31 =	simm.s32 $0x3C80;
	s10 =	simm.s32 $0x1D80;
	s11 =	simm.s32 $0x3D80  }
0x7: {  	s12 =	simm.s32 $0x1E00;
	s13 =	simm.s32 $0x3E00;
	s14 =	simm.s32 $0x1E80  }
0x8: {  	s15 =	simm.s32 $0x3E80;
	s16 =	simm.s32 $0x1F00;
	s17 =	simm.s32 $0x3F00  }
0x9: {  	s18 =	simm.s32 $0x1F80;
	s19 =	simm.s32 $0x3F80;
	s20 =	simm.s32 $0x1  }
0xa: {  	s21 =	simm.s32 $0x0;
	[smem:$0x7FF] =	sst s2;
	s3 =	sand.u32 $0x1, s3  }
0xb: {  	s4 =	sshll.u32 s4, $0xB;
	s5 =	sshll.u32 s3, $0xA;
	s6 =	ssub.s32 $0x2, s3  }
0xc: {  	_ =	strace $0x80000047;
	s4 =	sor.u32 s5, s4;
	s26 =	sshrl.u32 s6, $0x1  }
0xd: {  	s3 =	sadd.s32 $0x1A00, s1;
	s1 =	sadd.s32 s4, s1;
	s6 =	ssub.s32 s6, s26  }
0xe: {  	s4 =	sadd.s32 s0, s4;
	s26 =	simm.s32 $0x3B80;
	s0 =	simm.s32 $0x1D00  }
0xf: {  	s5 =	sadd.s32 $0x32800, s1;
	s6 =	smax.u32 s6, $0x1;
	s1 =	simm.s32 $0x3D00  }
.LBB2_1:
0x10: {  	[tilespmem:s2], [sflag:$0x2] =	stream.linear.gather [hbm4b:s4+s2], $0x2000, $0x38;
	[tilespmem:$0x4000] =	vst v63  }
0x11: {  	_ =	swait.ge [sflag:s7], $0x2000  }
0x12: {  	[sflag:s7] =	ssyncset.done $0x0  }
0x13: {  	[sflag:s7] =	ssyncadd.s32 $0xFFFFE000  }
0x14: {  	[tilespmem:s9], [sflag:$0x1] =	stream.indirect.gather [hbm4b:s3+s8], $0x1, s2, s8, $0xb8;
	[tilespmem:$0x4000] =	vst v63  }
0x15: {  	s22 =	simm.s32 $0x2080  }
0x16: {  	[tilespmem:s22], [sflag:$0x1] =	stream.indirect.gather [hbm4b:s3+s8], $0x1, s8, s8, $0xb8;
	[tilespmem:$0x4000] =	vst v63  }
0x17: {  	s23 =	simm.s32 $0x2100;
	s22 =	simm.s32 $0x100  }
0x18: {  	[tilespmem:s23], [sflag:$0x1] =	stream.indirect.gather [hbm4b:s3+s8], $0x1, s22, s8, $0xb8;
	[tilespmem:$0x4000] =	vst v63  }
0x19: {  	s22 =	simm.s32 $0x180;
	s23 =	simm.s32 $0x2180  }
0x1a: {  	[tilespmem:s23], [sflag:$0x1] =	stream.indirect.gather [hbm4b:s3+s8], $0x1, s22, s8, $0xb8;
	[tilespmem:$0x4000] =	vst v63  }
0x1b: {  	s22 =	simm.s32 $0x200;
	s23 =	simm.s32 $0x2200  }
0x1c: {  	[tilespmem:s23], [sflag:$0x1] =	stream.indirect.gather [hbm4b:s3+s8], $0x1, s22, s8, $0xb8;
	[tilespmem:$0x4000] =	vst v63  }
0x1d: {  	s22 =	simm.s32 $0x280;
	s23 =	simm.s32 $0x2280  }
0x1e: {  	[tilespmem:s23], [sflag:$0x1] =	stream.indirect.gather [hbm4b:s3+s8], $0x1, s22, s8, $0xb8;
	[tilespmem:$0x4000] =	vst v63  }
0x1f: {  	s22 =	simm.s32 $0x300;
	s23 =	simm.s32 $0x2300  }
0x20: {  	[tilespmem:s23], [sflag:$0x1] =	stream.indirect.gather [hbm4b:s3+s8], $0x1, s22, s8, $0xb8;
	[tilespmem:$0x4000] =	vst v63  }
0x21: {  	s22 =	simm.s32 $0x380;
	s23 =	simm.s32 $0x2380  }
0x22: {  	[tilespmem:s23], [sflag:$0x1] =	stream.indirect.gather [hbm4b:s3+s8], $0x1, s22, s8, $0xb8;
	[tilespmem:$0x4000] =	vst v63  }
0x23: {  	s22 =	simm.s32 $0x400;
	s23 =	simm.s32 $0x2400  }
0x24: {  	[tilespmem:s23], [sflag:$0x1] =	stream.indirect.gather [hbm4b:s3+s8], $0x1, s22, s8, $0xb8;
	[tilespmem:$0x4000] =	vst v63  }
0x25: {  	s22 =	simm.s32 $0x480;
	s23 =	simm.s32 $0x2480  }
0x26: {  	[tilespmem:s23], [sflag:$0x1] =	stream.indirect.gather [hbm4b:s3+s8], $0x1, s22, s8, $0xb8;
	[tilespmem:$0x4000] =	vst v63  }
0x27: {  	s22 =	simm.s32 $0x500;
	s23 =	simm.s32 $0x2500  }
0x28: {  	[tilespmem:s23], [sflag:$0x1] =	stream.indirect.gather [hbm4b:s3+s8], $0x1, s22, s8, $0xb8;
	[tilespmem:$0x4000] =	vst v63  }
0x29: {  	s22 =	simm.s32 $0x580;
	s23 =	simm.s32 $0x2580  }
0x2a: {  	[tilespmem:s23], [sflag:$0x1] =	stream.indirect.gather [hbm4b:s3+s8], $0x1, s22, s8, $0xb8;
	[tilespmem:$0x4000] =	vst v63  }
0x2b: {  	s22 =	simm.s32 $0x600;
	s23 =	simm.s32 $0x2600  }
0x2c: {  	[tilespmem:s23], [sflag:$0x1] =	stream.indirect.gather [hbm4b:s3+s8], $0x1, s22, s8, $0xb8;
	[tilespmem:$0x4000] =	vst v63  }
0x2d: {  	s22 =	simm.s32 $0x680;
	s23 =	simm.s32 $0x2680  }
0x2e: {  	[tilespmem:s23], [sflag:$0x1] =	stream.indirect.gather [hbm4b:s3+s8], $0x1, s22, s8, $0xb8;
	[tilespmem:$0x4000] =	vst v63  }
0x2f: {  	s22 =	simm.s32 $0x700;
	s23 =	simm.s32 $0x2700  }
0x30: {  	[tilespmem:s23], [sflag:$0x1] =	stream.indirect.gather [hbm4b:s3+s8], $0x1, s22, s8, $0xb8;
	[tilespmem:$0x4000] =	vst v63  }
0x31: {  	s22 =	simm.s32 $0x780;
	s23 =	simm.s32 $0x2780  }
0x32: {  	[tilespmem:s23], [sflag:$0x1] =	stream.indirect.gather [hbm4b:s3+s8], $0x1, s22, s8, $0xb8;
	[tilespmem:$0x4000] =	vst v63  }
0x33: {  	s22 =	simm.s32 $0x800;
	s23 =	simm.s32 $0x2800  }
0x34: {  	[tilespmem:s23], [sflag:$0x1] =	stream.indirect.gather [hbm4b:s3+s8], $0x1, s22, s8, $0xb8;
	[tilespmem:$0x4000] =	vst v63  }
0x35: {  	s22 =	simm.s32 $0x880;
	s23 =	simm.s32 $0x2880  }
0x36: {  	[tilespmem:s23], [sflag:$0x1] =	stream.indirect.gather [hbm4b:s3+s8], $0x1, s22, s8, $0xb8;
	[tilespmem:$0x4000] =	vst v63  }
0x37: {  	s22 =	simm.s32 $0x900;
	s23 =	simm.s32 $0x2900  }
0x38: {  	[tilespmem:s23], [sflag:$0x1] =	stream.indirect.gather [hbm4b:s3+s8], $0x1, s22, s8, $0xb8;
	[tilespmem:$0x4000] =	vst v63  }
0x39: {  	s22 =	simm.s32 $0x980;
	s23 =	simm.s32 $0x2980  }
0x3a: {  	[tilespmem:s23], [sflag:$0x1] =	stream.indirect.gather [hbm4b:s3+s8], $0x1, s22, s8, $0xb8;
	[tilespmem:$0x4000] =	vst v63  }
0x3b: {  	s22 =	simm.s32 $0xA00;
	s23 =	simm.s32 $0x2A00  }
0x3c: {  	[tilespmem:s23], [sflag:$0x1] =	stream.indirect.gather [hbm4b:s3+s8], $0x1, s22, s8, $0xb8;
	[tilespmem:$0x4000] =	vst v63  }
0x3d: {  	s22 =	simm.s32 $0xA80;
	s23 =	simm.s32 $0x2A80  }
0x3e: {  	[tilespmem:s23], [sflag:$0x1] =	stream.indirect.gather [hbm4b:s3+s8], $0x1, s22, s8, $0xb8;
	[tilespmem:$0x4000] =	vst v63  }
0x3f: {  	s22 =	simm.s32 $0xB00;
	s23 =	simm.s32 $0x2B00  }
0x40: {  	[tilespmem:s23], [sflag:$0x1] =	stream.indirect.gather [hbm4b:s3+s8], $0x1, s22, s8, $0xb8;
	[tilespmem:$0x4000] =	vst v63  }
0x41: {  	s22 =	simm.s32 $0xB80;
	s23 =	simm.s32 $0x2B80  }
0x42: {  	[tilespmem:s23], [sflag:$0x1] =	stream.indirect.gather [hbm4b:s3+s8], $0x1, s22, s8, $0xb8;
	[tilespmem:$0x4000] =	vst v63  }
0x43: {  	s22 =	simm.s32 $0xC00;
	s23 =	simm.s32 $0x2C00  }
0x44: {  	[tilespmem:s23], [sflag:$0x1] =	stream.indirect.gather [hbm4b:s3+s8], $0x1, s22, s8, $0xb8;
	[tilespmem:$0x4000] =	vst v63  }
0x45: {  	s22 =	simm.s32 $0xC80;
	s23 =	simm.s32 $0x2C80  }
0x46: {  	[tilespmem:s23], [sflag:$0x1] =	stream.indirect.gather [hbm4b:s3+s8], $0x1, s22, s8, $0xb8;
	[tilespmem:$0x4000] =	vst v63  }
0x47: {  	s22 =	simm.s32 $0xD00;
	s23 =	simm.s32 $0x2D00  }
0x48: {  	[tilespmem:s23], [sflag:$0x1] =	stream.indirect.gather [hbm4b:s3+s8], $0x1, s22, s8, $0xb8;
	[tilespmem:$0x4000] =	vst v63  }
0x49: {  	s22 =	simm.s32 $0xD80;
	s23 =	simm.s32 $0x2D80  }
0x4a: {  	[tilespmem:s23], [sflag:$0x1] =	stream.indirect.gather [hbm4b:s3+s8], $0x1, s22, s8, $0xb8;
	[tilespmem:$0x4000] =	vst v63  }
0x4b: {  	s22 =	simm.s32 $0xE00;
	s23 =	simm.s32 $0x2E00  }
0x4c: {  	[tilespmem:s23], [sflag:$0x1] =	stream.indirect.gather [hbm4b:s3+s8], $0x1, s22, s8, $0xb8;
	[tilespmem:$0x4000] =	vst v63  }
0x4d: {  	s22 =	simm.s32 $0xE80;
	s23 =	simm.s32 $0x2E80  }
0x4e: {  	[tilespmem:s23], [sflag:$0x1] =	stream.indirect.gather [hbm4b:s3+s8], $0x1, s22, s8, $0xb8;
	[tilespmem:$0x4000] =	vst v63  }
0x4f: {  	s22 =	simm.s32 $0xF00;
	s23 =	simm.s32 $0x2F00  }
0x50: {  	[tilespmem:s23], [sflag:$0x1] =	stream.indirect.gather [hbm4b:s3+s8], $0x1, s22, s8, $0xb8;
	[tilespmem:$0x4000] =	vst v63  }
0x51: {  	s22 =	simm.s32 $0xF80;
	s23 =	simm.s32 $0x2F80  }
0x52: {  	[tilespmem:s23], [sflag:$0x1] =	stream.indirect.gather [hbm4b:s3+s8], $0x1, s22, s8, $0xb8;
	[tilespmem:$0x4000] =	vst v63  }
0x53: {  	s22 =	simm.s32 $0x1000;
	s23 =	simm.s32 $0x3000  }
0x54: {  	[tilespmem:s23], [sflag:$0x1] =	stream.indirect.gather [hbm4b:s3+s8], $0x1, s22, s8, $0xb8;
	[tilespmem:$0x4000] =	vst v63  }
0x55: {  	s22 =	simm.s32 $0x1080;
	s23 =	simm.s32 $0x3080  }
0x56: {  	[tilespmem:s23], [sflag:$0x1] =	stream.indirect.gather [hbm4b:s3+s8], $0x1, s22, s8, $0xb8;
	[tilespmem:$0x4000] =	vst v63  }
0x57: {  	s22 =	simm.s32 $0x1100;
	s23 =	simm.s32 $0x3100  }
0x58: {  	[tilespmem:s23], [sflag:$0x1] =	stream.indirect.gather [hbm4b:s3+s8], $0x1, s22, s8, $0xb8;
	[tilespmem:$0x4000] =	vst v63  }
0x59: {  	s22 =	simm.s32 $0x1180;
	s23 =	simm.s32 $0x3180  }
0x5a: {  	[tilespmem:s23], [sflag:$0x1] =	stream.indirect.gather [hbm4b:s3+s8], $0x1, s22, s8, $0xb8;
	[tilespmem:$0x4000] =	vst v63  }
0x5b: {  	s22 =	simm.s32 $0x1200;
	s23 =	simm.s32 $0x3200  }
0x5c: {  	[tilespmem:s23], [sflag:$0x1] =	stream.indirect.gather [hbm4b:s3+s8], $0x1, s22, s8, $0xb8;
	[tilespmem:$0x4000] =	vst v63  }
0x5d: {  	s22 =	simm.s32 $0x1280;
	s23 =	simm.s32 $0x3280  }
0x5e: {  	[tilespmem:s23], [sflag:$0x1] =	stream.indirect.gather [hbm4b:s3+s8], $0x1, s22, s8, $0xb8;
	[tilespmem:$0x4000] =	vst v63  }
0x5f: {  	s22 =	simm.s32 $0x1300;
	s23 =	simm.s32 $0x3300  }
0x60: {  	[tilespmem:s23], [sflag:$0x1] =	stream.indirect.gather [hbm4b:s3+s8], $0x1, s22, s8, $0xb8;
	[tilespmem:$0x4000] =	vst v63  }
0x61: {  	s22 =	simm.s32 $0x1380;
	s23 =	simm.s32 $0x3380  }
0x62: {  	[tilespmem:s23], [sflag:$0x1] =	stream.indirect.gather [hbm4b:s3+s8], $0x1, s22, s8, $0xb8;
	[tilespmem:$0x4000] =	vst v63  }
0x63: {  	s22 =	simm.s32 $0x1400;
	s23 =	simm.s32 $0x3400  }
0x64: {  	[tilespmem:s23], [sflag:$0x1] =	stream.indirect.gather [hbm4b:s3+s8], $0x1, s22, s8, $0xb8;
	[tilespmem:$0x4000] =	vst v63  }
0x65: {  	s22 =	simm.s32 $0x1480;
	s23 =	simm.s32 $0x3480  }
0x66: {  	[tilespmem:s23], [sflag:$0x1] =	stream.indirect.gather [hbm4b:s3+s8], $0x1, s22, s8, $0xb8;
	[tilespmem:$0x4000] =	vst v63  }
0x67: {  	s22 =	simm.s32 $0x1500;
	s23 =	simm.s32 $0x3500  }
0x68: {  	[tilespmem:s23], [sflag:$0x1] =	stream.indirect.gather [hbm4b:s3+s8], $0x1, s22, s8, $0xb8;
	[tilespmem:$0x4000] =	vst v63  }
0x69: {  	s22 =	simm.s32 $0x1580;
	s23 =	simm.s32 $0x3580  }
0x6a: {  	[tilespmem:s23], [sflag:$0x1] =	stream.indirect.gather [hbm4b:s3+s8], $0x1, s22, s8, $0xb8;
	[tilespmem:$0x4000] =	vst v63  }
0x6b: {  	s22 =	simm.s32 $0x1600;
	s23 =	simm.s32 $0x3600  }
0x6c: {  	[tilespmem:s23], [sflag:$0x1] =	stream.indirect.gather [hbm4b:s3+s8], $0x1, s22, s8, $0xb8;
	[tilespmem:$0x4000] =	vst v63  }
0x6d: {  	s22 =	simm.s32 $0x1680;
	s23 =	simm.s32 $0x3680  }
0x6e: {  	[tilespmem:s23], [sflag:$0x1] =	stream.indirect.gather [hbm4b:s3+s8], $0x1, s22, s8, $0xb8;
	[tilespmem:$0x4000] =	vst v63  }
0x6f: {  	s22 =	simm.s32 $0x1700;
	s23 =	simm.s32 $0x3700  }
0x70: {  	[tilespmem:s23], [sflag:$0x1] =	stream.indirect.gather [hbm4b:s3+s8], $0x1, s22, s8, $0xb8;
	[tilespmem:$0x4000] =	vst v63  }
0x71: {  	s22 =	simm.s32 $0x1780;
	s23 =	simm.s32 $0x3780  }
0x72: {  	[tilespmem:s23], [sflag:$0x1] =	stream.indirect.gather [hbm4b:s3+s8], $0x1, s22, s8, $0xb8;
	[tilespmem:$0x4000] =	vst v63  }
0x73: {  	s22 =	simm.s32 $0x1800;
	s23 =	simm.s32 $0x3800  }
0x74: {  	[tilespmem:s23], [sflag:$0x1] =	stream.indirect.gather [hbm4b:s3+s8], $0x1, s22, s8, $0xb8;
	[tilespmem:$0x4000] =	vst v63  }
0x75: {  	s22 =	simm.s32 $0x1880;
	s23 =	simm.s32 $0x3880  }
0x76: {  	[tilespmem:s23], [sflag:$0x1] =	stream.indirect.gather [hbm4b:s3+s8], $0x1, s22, s8, $0xb8;
	[tilespmem:$0x4000] =	vst v63  }
0x77: {  	s22 =	simm.s32 $0x1900;
	s23 =	simm.s32 $0x3900  }
0x78: {  	[tilespmem:s23], [sflag:$0x1] =	stream.indirect.gather [hbm4b:s3+s8], $0x1, s22, s8, $0xb8;
	[tilespmem:$0x4000] =	vst v63  }
0x79: {  	s22 =	simm.s32 $0x1980;
	s23 =	simm.s32 $0x3980  }
0x7a: {  	[tilespmem:s23], [sflag:$0x1] =	stream.indirect.gather [hbm4b:s3+s8], $0x1, s22, s8, $0xb8;
	[tilespmem:$0x4000] =	vst v63  }
0x7b: {  	s22 =	simm.s32 $0x1A00;
	s23 =	simm.s32 $0x3A00  }
0x7c: {  	[tilespmem:s23], [sflag:$0x1] =	stream.indirect.gather [hbm4b:s3+s8], $0x1, s22, s8, $0xb8;
	[tilespmem:$0x4000] =	vst v63  }
0x7d: {  	s22 =	simm.s32 $0x1A80;
	s23 =	simm.s32 $0x3A80  }
0x7e: {  	[tilespmem:s23], [sflag:$0x1] =	stream.indirect.gather [hbm4b:s3+s8], $0x1, s22, s8, $0xb8;
	[tilespmem:$0x4000] =	vst v63  }
0x7f: {  	s23 =	simm.s32 $0x1B00  }
0x80: {  	[tilespmem:s24], [sflag:$0x1] =	stream.indirect.gather [hbm4b:s3+s8], $0x1, s23, s8, $0xb8;
	[tilespmem:$0x4000] =	vst v63  }
0x81: {  	_ = 	snop  }
0x82: {  	[tilespmem:s26], [sflag:$0x1] =	stream.indirect.gather [hbm4b:s3+s8], $0x1, s25, s8, $0xb8;
	[tilespmem:$0x4000] =	vst v63  }
0x83: {  	_ = 	snop  }
0x84: {  	[tilespmem:s29], [sflag:$0x1] =	stream.indirect.gather [hbm4b:s3+s8], $0x1, s28, s8, $0xb8;
	[tilespmem:$0x4000] =	vst v63  }
0x85: {  	_ = 	snop  }
0x86: {  	[tilespmem:s31], [sflag:$0x1] =	stream.indirect.gather [hbm4b:s3+s8], $0x1, s30, s8, $0xb8;
	[tilespmem:$0x4000] =	vst v63  }
0x87: {  	_ = 	snop  }
0x88: {  	[tilespmem:s1], [sflag:$0x1] =	stream.indirect.gather [hbm4b:s3+s8], $0x1, s0, s8, $0xb8;
	[tilespmem:$0x4000] =	vst v63  }
0x89: {  	_ = 	snop  }
0x8a: {  	[tilespmem:s11], [sflag:$0x1] =	stream.indirect.gather [hbm4b:s3+s8], $0x1, s10, s8, $0xb8;
	[tilespmem:$0x4000] =	vst v63  }
0x8b: {  	_ = 	snop  }
0x8c: {  	[tilespmem:s13], [sflag:$0x1] =	stream.indirect.gather [hbm4b:s3+s8], $0x1, s12, s8, $0xb8;
	[tilespmem:$0x4000] =	vst v63  }
0x8d: {  	_ = 	snop  }
0x8e: {  	[tilespmem:s15], [sflag:$0x1] =	stream.indirect.gather [hbm4b:s3+s8], $0x1, s14, s8, $0xb8;
	[tilespmem:$0x4000] =	vst v63  }
0x8f: {  	_ = 	snop  }
0x90: {  	[tilespmem:s17], [sflag:$0x1] =	stream.indirect.gather [hbm4b:s3+s8], $0x1, s16, s8, $0xb8;
	[tilespmem:$0x4000] =	vst v63  }
0x91: {  	_ = 	snop  }
0x92: {  	[tilespmem:s19], [sflag:$0x1] =	stream.indirect.gather [hbm4b:s3+s8], $0x1, s18, s8, $0xb8;
	[tilespmem:$0x4000] =	vst v63  }
0x93: {  	_ =	swait.ge [sflag:s20], $0x80  }
0x94: {  	[sflag:s20] =	ssyncset.done $0x0  }
0x95: {  	[sflag:s20] =	ssyncadd.s32 $0xFFFFFF80  }
0x96: {  	_ =	swait.ge [sflag:s20], $0x80  }
0x97: {  	[sflag:s20] =	ssyncset.done $0x0  }
0x98: {  	[sflag:s20] =	ssyncadd.s32 $0xFFFFFF80  }
0x99: {  	_ =	swait.ge [sflag:s20], $0x80  }
0x9a: {  	[sflag:s20] =	ssyncset.done $0x0  }
0x9b: {  	[sflag:s20] =	ssyncadd.s32 $0xFFFFFF80  }
0x9c: {  	_ =	swait.ge [sflag:s20], $0x80  }
0x9d: {  	[sflag:s20] =	ssyncset.done $0x0  }
0x9e: {  	[sflag:s20] =	ssyncadd.s32 $0xFFFFFF80  }
0x9f: {  	_ =	swait.ge [sflag:s20], $0x80  }
0xa0: {  	[sflag:s20] =	ssyncset.done $0x0  }
0xa1: {  	[sflag:s20] =	ssyncadd.s32 $0xFFFFFF80  }
0xa2: {  	_ =	swait.ge [sflag:s20], $0x80  }
0xa3: {  	[sflag:s20] =	ssyncset.done $0x0  }
0xa4: {  	[sflag:s20] =	ssyncadd.s32 $0xFFFFFF80  }
0xa5: {  	_ =	swait.ge [sflag:s20], $0x80  }
0xa6: {  	[sflag:s20] =	ssyncset.done $0x0  }
0xa7: {  	[sflag:s20] =	ssyncadd.s32 $0xFFFFFF80  }
0xa8: {  	_ =	swait.ge [sflag:s20], $0x80  }
0xa9: {  	[sflag:s20] =	ssyncset.done $0x0  }
0xaa: {  	[sflag:s20] =	ssyncadd.s32 $0xFFFFFF80  }
0xab: {  	_ =	swait.ge [sflag:s20], $0x80  }
0xac: {  	[sflag:s20] =	ssyncset.done $0x0  }
0xad: {  	[sflag:s20] =	ssyncadd.s32 $0xFFFFFF80  }
0xae: {  	_ =	swait.ge [sflag:s20], $0x80  }
0xaf: {  	[sflag:s20] =	ssyncset.done $0x0  }
0xb0: {  	[sflag:s20] =	ssyncadd.s32 $0xFFFFFF80  }
0xb1: {  	_ =	swait.ge [sflag:s20], $0x80  }
0xb2: {  	[sflag:s20] =	ssyncset.done $0x0  }
0xb3: {  	[sflag:s20] =	ssyncadd.s32 $0xFFFFFF80  }
0xb4: {  	_ =	swait.ge [sflag:s20], $0x80  }
0xb5: {  	[sflag:s20] =	ssyncset.done $0x0  }
0xb6: {  	[sflag:s20] =	ssyncadd.s32 $0xFFFFFF80  }
0xb7: {  	_ =	swait.ge [sflag:s20], $0x80  }
0xb8: {  	[sflag:s20] =	ssyncset.done $0x0  }
0xb9: {  	[sflag:s20] =	ssyncadd.s32 $0xFFFFFF80  }
0xba: {  	_ =	swait.ge [sflag:s20], $0x80  }
0xbb: {  	[sflag:s20] =	ssyncset.done $0x0  }
0xbc: {  	[sflag:s20] =	ssyncadd.s32 $0xFFFFFF80  }
0xbd: {  	_ =	swait.ge [sflag:s20], $0x80  }
0xbe: {  	[sflag:s20] =	ssyncset.done $0x0  }
0xbf: {  	[sflag:s20] =	ssyncadd.s32 $0xFFFFFF80  }
0xc0: {  	_ =	swait.ge [sflag:s20], $0x80  }
0xc1: {  	s22 =	simm.s32 $0x3;
	[sflag:s20] =	ssyncset.done $0x0  }
.LBB2_2:
0xc2: {  	p0 =	sne.s32 s22, $0x1;
	s22 =	sadd.s32 $0xFFFFFFFF, s22;
	[sflag:s20] =	ssyncadd.s32 $0xFFFFFF80  }
0xc3: {  	_ =	swait.ge [sflag:s20], $0x80  }
0xc4: {  	[sflag:s20] =	ssyncset.done $0x0  }
0xc5: {  	[sflag:s20] =	ssyncadd.s32 $0xFFFFFF80  }
0xc6: {  	_ =	swait.ge [sflag:s20], $0x80  }
0xc7: {  	[sflag:s20] =	ssyncset.done $0x0  }
0xc8: {  	[sflag:s20] =	ssyncadd.s32 $0xFFFFFF80  }
0xc9: {  	_ =	swait.ge [sflag:s20], $0x80  }
0xca: {  	[sflag:s20] =	ssyncset.done $0x0  }
0xcb: {  	[sflag:s20] =	ssyncadd.s32 $0xFFFFFF80  }
0xcc: {  	_ =	swait.ge [sflag:s20], $0x80  }
0xcd: {  	[sflag:s20] =	ssyncset.done $0x0  }
0xce: {  	[sflag:s20] =	ssyncadd.s32 $0xFFFFFF80  }
0xcf: {  	_ =	swait.ge [sflag:s20], $0x80  }
0xd0: {  	[sflag:s20] =	ssyncset.done $0x0  }
0xd1: {  	[sflag:s20] =	ssyncadd.s32 $0xFFFFFF80  }
0xd2: {  	_ =	swait.ge [sflag:s20], $0x80  }
0xd3: {  	[sflag:s20] =	ssyncset.done $0x0  }
0xd4: {  	[sflag:s20] =	ssyncadd.s32 $0xFFFFFF80  }
0xd5: {  	_ =	swait.ge [sflag:s20], $0x80  }
0xd6: {  	[sflag:s20] =	ssyncset.done $0x0  }
0xd7: {  	[sflag:s20] =	ssyncadd.s32 $0xFFFFFF80  }
0xd8: {  	_ =	swait.ge [sflag:s20], $0x80  }
0xd9: {  	[sflag:s20] =	ssyncset.done $0x0  }
0xda: {  	[sflag:s20] =	ssyncadd.s32 $0xFFFFFF80  }
0xdb: {  	_ =	swait.ge [sflag:s20], $0x80  }
0xdc: {  	[sflag:s20] =	ssyncset.done $0x0  }
0xdd: {  	[sflag:s20] =	ssyncadd.s32 $0xFFFFFF80  }
0xde: {  	_ =	swait.ge [sflag:s20], $0x80  }
0xdf: {  	[sflag:s20] =	ssyncset.done $0x0  }
0xe0: {  	[sflag:s20] =	ssyncadd.s32 $0xFFFFFF80  }
0xe1: {  	_ =	swait.ge [sflag:s20], $0x80  }
0xe2: {  	[sflag:s20] =	ssyncset.done $0x0  }
0xe3: {  	[sflag:s20] =	ssyncadd.s32 $0xFFFFFF80  }
0xe4: {  	_ =	swait.ge [sflag:s20], $0x80  }
0xe5: {  	[sflag:s20] =	ssyncset.done $0x0  }
0xe6: {  	[sflag:s20] =	ssyncadd.s32 $0xFFFFFF80  }
0xe7: {  	_ =	swait.ge [sflag:s20], $0x80  }
0xe8: {  	[sflag:s20] =	ssyncset.done $0x0  }
0xe9: {  	[sflag:s20] =	ssyncadd.s32 $0xFFFFFF80  }
0xea: {  	_ =	swait.ge [sflag:s20], $0x80  }
0xeb: {  	[sflag:s20] =	ssyncset.done $0x0  }
0xec: {  	[sflag:s20] =	ssyncadd.s32 $0xFFFFFF80  }
.Ltmp0:
0xed: {  	_ =	swait.ge [sflag:s20], $0x80;
	(pc) =	sbr.rel @p0 .LBB2_2-.Ltmp0, $4  }
0xee: {  	[sflag:s20] =	ssyncset.done $0x0  }
0xef: {  	[sflag:s20] =	ssyncadd.s32 $0xFFFFFF80  }
0xf0: {  	_ =	swait.ge [sflag:s20], $0x80  }
0xf1: {  	[sflag:s20] =	ssyncset.done $0x0  }
0xf2: {  	s21 =	sadd.s32 $0x1, s21  }
0xf3: {  	p0 =	sne.s32 s21, s6  }
.Ltmp1:
0xf4: {  	[sflag:s20] =	ssyncadd.s32 $0xFFFFFF80;
	(pc) =	sbr.rel @p0 .LBB2_1-.Ltmp1, $4  }
0xf5: {  	[hbm4b:s5+s2] =	stream.linear.scatter [tilespmem:s9], [sflag:$0x2], $0x2000, $0x38;
	[tilespmem:$0x4000] =	vst v63  }
0xf6: {  	_ =	swait.ge [sflag:s7], $0x2000  }
0xf7: {  	[sflag:s7] =	ssyncset.done $0x0  }
0xf8: {  	[sflag:s7] =	ssyncadd.s32 $0xFFFFE000  }
0xf9: {  	_ =	sfence.sel $0x180000  }
0xfa: {  	[bflag:$0x0] =	sbarrier.arrive $0xFFFF  }
0xfb: {  	_ =	strace $0x90000047  }
0xfc: {  	s0 =	stileid.u32;
	[bflag:$0x2] =	sbarrier.arrive $0xFFFF  }
0xfd: {  	p0 =	sne.s32 s0, $0x0;
	s0 =	rddreg [dreg:$0x2]  }
0xfe: {  	s0 =	sadd.s32 @!p0 $0x100000, s0  }
0xff: {  	[sflag:s0] =	ssyncadd.tile.s32 @!p0 $0x1;
	_ =	shalt  }
.Lfunc_end2:
_tile_overlayer_lowered:
.L_overlay_start_2:
0x100: {  	(tag) =	ssettag $0x2  }
0x101: {  	s0 =	rddreg [dreg:$0x0];
	s2 =	stileid.u32  }
0x102: {  	s1 =	rddreg [dreg:$0x1];
	p0 =	sne.s32 s2, $0x0  }
0x103: {  	s3 =	rddreg [dreg:$0x2];
	[bflag:$0x3] =	sbarrier.arrive $0xFFFF;
	s2 =	simm.s32 @!p0 $0x1C02  }
0x104: {  	[timem:s3], [sflag:s2] =	dma.local @!p0 [hbm:s0], s1  }
0x105: {  	s0 =	simm.s32 @!p0 $0x2  }
0x106: {  	_ =	swait.ge @!p0 [sflag:s0], s1  }
0x107: {  	s1 =	ssub.s32 @!p0 $0x0, s1;
	[sflag:s0] =	ssyncset.done @!p0 $0x0  }
0x108: {  	[sflag:s0] =	ssyncadd.s32 @!p0 s1  }
0x109: {  	[bflag:$0x3] =	sbarrier.arrive $0xFFFF  }
0x10a: {  	_ =	shalt  }

// kernel: kernel.9.cloned.1.call-start
scs
__scs_entry_jumppad:
0x0: {  	(pc) =	sbr.rel $0x88, $3  }
0x1: {  	(tag) =	ssettag $0x0;
	lr =	simm.s32 $0x1  }
0x2: {  	[smem:$0x3F9D] =	sst lr;
	_ =	strace $0xD0000000  }
0x3: {  	_ = 	snop  }
0x4: {  	_ = 	snop  }
0x5: {  	_ = 	snop  }
0x6: {  	_ = 	snop  }
0x7: {  	_ = 	snop  }
__scs_overlays_trampoline_lowered:
0x8: {  	[smem:$0x3FAC] =	sst s0  }
0x9: {  	[smem:$0x3FAD] =	sst s1  }
0xa: {  	[smem:$0x3FAE] =	sst s2  }
0xb: {  	[smem:$0x3FAF] =	sst s3  }
0xc: {  	[smem:$0x3FB0] =	sst s4  }
0xd: {  	[smem:$0x3FB1] =	sst s5  }
0xe: {  	[smem:$0x3FB2] =	sst s6  }
0xf: {  	[smem:$0x3FB3] =	sst s7  }
0x10: {  	[smem:$0x3FB4] =	sst s8  }
0x11: {  	[smem:$0x3FB5] =	sst s9;
	s0 =	simm.s32 @!p0 $0x0  }
0x12: {  	s1 =	sld [smem:$0x3F9B];
	s0 =	simm.s32 @p0 $0x1  }
0x13: {  	[smem:$0x3FB6] =	sst s0;
	s0 =	simm.s32 @!p1 $0x0  }
0x14: {  	s2 =	sld [smem:$0x3F9A];
	s0 =	simm.s32 @p1 $0x1  }
0x15: {  	[smem:$0x3FB7] =	sst s0;
	s0 =	simm.s32 @!p2 $0x0  }
0x16: {  	s3 =	sld [smem:$0x3FDB];
	s0 =	simm.s32 @p2 $0x1  }
0x17: {  	s4 =	simm.s32 $0x1BF5;
	[smem:$0x3FB9] =	sst s0  }
0x18: {  	s0 =	sld [smem:$0x3F9C];
	_ =	swait.ge [sflag:s4], $0x0  }
0x19: {  	s7 =	sld [smem:$0x3F9D]  }
0x1a: {  	s8 =	sadd.s32 $0xFFFFE003, lr  }
0x1b: {  	s9 =	sadd.s32 $0xFFFFFEF7, lr;
	s5 =	simm.s32 $0xFFFFFFFF;
	p2 =	slt.u32 s8, $0xFFFFF086  }
0x1c: {  	p1 =	slt.u32 s9, $0xF7A;
	s5 =	simm.s32 @!p2 $0x0  }
0x1d: {  	s5 =	simm.s32 @p1 $0x1;
	p0 =	seq.s32 s7, s2  }
0x1e: {  	s7 =	smul.u32 @!p0 $0xF7A, s2;
	p2 =	seq.s32 @!p0 s5, $0x0  }
0x1f: {  	s9 =	smul.u32 $0xF7A, s1;
	s8 =	simm.s32 @!p0 $0x1BF5;
	p2 =	por !p2, p0  }
0x20: {  	[sflag:s8] =	ssyncset.s32 @!p0 $0xFFFFF086;
	s6 =	sadd.s32 @!p0 s3, s7;
	s7 =	simm.s32 @!p0 $0x108  }
0x21: {  	s3 =	sadd.s32 s3, s9;
	s6 =	sadd.s32 @!p0 $0x88, s6;
	s7 =	simm.s32 @p2 $0x1082  }
0x22: {  	[simem:s7], [sflag:s8] =	dma.local @!p0 [hbm:s6], $0xF7A  }
0x23: {  	s9 =	sor.u32 $0xD0000000, s2;
	s6 =	simm.s32 $0x108;
	_ =	swait.ge @!p0 [sflag:s8], $0x0  }
0x24: {  	s3 =	sadd.s32 $0x88, s3;
	s6 =	simm.s32 @!p1 $0x1082;
	[sflag:s4] =	ssyncset.s32 $0xFFFFF086  }
0x25: {  	[simem:s6], [sflag:s4] =	dma.local [hbm:s3], $0xF7A  }
0x26: {  	[smem:$0x3F9D] =	sst s1;
	(tag) =	ssettag s2;
	_ =	strace s9  }
0x27: {  	s1 =	sld [smem:$0x3FAD]  }
0x28: {  	s2 =	sld [smem:$0x3FAE]  }
0x29: {  	s4 =	sld [smem:$0x3FB0]  }
0x2a: {  	p0 =	seq.s32 s5, $0x0;
	s5 =	sld [smem:$0x3FB1]  }
0x2b: {  	s6 =	sld [smem:$0x3FB2]  }
0x2c: {  	s7 =	sld [smem:$0x3FB3]  }
0x2d: {  	s3 =	simm.s32 $0x108;
	s8 =	sld [smem:$0x3FB4]  }
0x2e: {  	s3 =	simm.s32 @!p0 $0x1082;
	s9 =	sld [smem:$0x3FB5]  }
0x2f: {  	lr =	sadd.s32 s0, s3;
	s0 =	sld [smem:$0x3FAC]  }
0x30: {  	s3 =	sld [smem:$0x3FAF]  }
0x31: {  	[smem:$0x3FB8] =	sst s10  }
0x32: {  	s10 =	sld [smem:$0x3FB6];
	_ =	sdelay $0x3  }
0x33: {  	p0 =	seq.s32 s10, $0x1;
	s10 =	sld [smem:$0x3FB8];
	_ =	sdelay $0x3  }
0x34: {  	[smem:$0x3FB8] =	sst s10  }
0x35: {  	s10 =	sld [smem:$0x3FB7];
	_ =	sdelay $0x3  }
0x36: {  	p1 =	seq.s32 s10, $0x1;
	s10 =	sld [smem:$0x3FB8];
	_ =	sdelay $0x3  }
0x37: {  	[smem:$0x3FB8] =	sst s10  }
0x38: {  	s10 =	sld [smem:$0x3FB9]  }
0x39: {  	_ = 	snop;
	(pc) =	sbr.ind lr, $3  }
0x3a: {  	_ = 	snop  }
0x3b: {  	_ = 	snop  }
0x3c: {  	p2 =	seq.s32 s10, $0x1;
	s10 =	sld [smem:$0x3FB8]  }
0x3d: {  	_ =	shalt  }
0x3e: {  	_ =	shalt  }
0x3f: {  	_ =	shalt  }
0x40: {  	_ =	shalt  }
0x41: {  	_ =	shalt  }
0x42: {  	_ =	shalt  }
0x43: {  	_ =	shalt  }
0x44: {  	_ =	shalt  }
0x45: {  	_ =	shalt  }
0x46: {  	_ =	shalt  }
0x47: {  	_ =	shalt  }
0x48: {  	_ =	shalt  }
0x49: {  	_ =	shalt  }
0x4a: {  	_ =	shalt  }
0x4b: {  	_ =	shalt  }
0x4c: {  	_ =	shalt  }
0x4d: {  	_ =	shalt  }
0x4e: {  	_ =	shalt  }
0x4f: {  	_ =	shalt  }
0x50: {  	_ =	shalt  }
0x51: {  	_ =	shalt  }
0x52: {  	_ =	shalt  }
0x53: {  	_ =	shalt  }
0x54: {  	_ =	shalt  }
0x55: {  	_ =	shalt  }
0x56: {  	_ =	shalt  }
0x57: {  	_ =	shalt  }
0x58: {  	_ =	shalt  }
0x59: {  	_ =	shalt  }
0x5a: {  	_ =	shalt  }
0x5b: {  	_ =	shalt  }
0x5c: {  	_ =	shalt  }
0x5d: {  	_ =	shalt  }
0x5e: {  	_ =	shalt  }
0x5f: {  	_ =	shalt  }
0x60: {  	_ =	shalt  }
0x61: {  	_ =	shalt  }
0x62: {  	_ =	shalt  }
0x63: {  	_ =	shalt  }
0x64: {  	_ =	shalt  }
0x65: {  	_ =	shalt  }
0x66: {  	_ =	shalt  }
0x67: {  	_ =	shalt  }
0x68: {  	_ =	shalt  }
0x69: {  	_ =	shalt  }
0x6a: {  	_ =	shalt  }
0x6b: {  	_ =	shalt  }
0x6c: {  	_ =	shalt  }
0x6d: {  	_ =	shalt  }
0x6e: {  	_ =	shalt  }
0x6f: {  	_ =	shalt  }
0x70: {  	_ =	shalt  }
0x71: {  	_ =	shalt  }
0x72: {  	_ =	shalt  }
0x73: {  	_ =	shalt  }
0x74: {  	_ =	shalt  }
0x75: {  	_ =	shalt  }
0x76: {  	_ =	shalt  }
0x77: {  	_ =	shalt  }
0x78: {  	_ =	shalt  }
0x79: {  	_ =	shalt  }
0x7a: {  	_ =	shalt  }
0x7b: {  	_ =	shalt  }
0x7c: {  	_ =	shalt  }
0x7d: {  	_ =	shalt  }
0x7e: {  	_ =	shalt  }
0x7f: {  	_ =	shalt  }
0x80: {  	_ =	shalt  }
0x81: {  	_ =	shalt  }
0x82: {  	_ =	shalt  }
0x83: {  	_ =	shalt  }
0x84: {  	_ =	shalt  }
0x85: {  	_ =	shalt  }
0x86: {  	_ =	shalt  }
0x87: {  	_ =	shalt  }
.Lfunc_end0:
.L_simem_size_0:
called_computation.1_lowered:
.L_overlay_start_0:
0x88: {  	s2 =	sld [smem:$0x3FD9]  }
0x89: {  	s3 =	sld [smem:$0x3FFE];
	_ =	sdelay $0x1  }
0x8a: {  	s1 =	srdreg.scid  }
0x8b: {  	s0 =	sand.u32 $0x1, s1  }
0x8c: {  	s17 =	sshll.u32 s0, $0xA;
	s2 =	sadd.s32 s3, s2  }
0x8d: {  	s2 =	sadd.s32 s2, s17  }
0x8e: {  	[smem:$0x3FC4] =	sst s2  }
0x8f: {  	_ = 	snop  }
0x90: {  	s18 =	sld [smem:$0x3FC9];
	(tm) =	ssettm $0x1  }
0x91: {  	s19 =	sld [smem:$0x3FFB];
	_ =	sdelay $0x3  }
0x92: {  	_ =	strace s19  }
0x93: {  	s2 =	sld [smem:$0x3FFC];
	_ =	sdelay $0x3  }
0x94: {  	_ =	strace s2  }
0x95: {  	s2 =	sld [smem:$0x3FFD];
	_ =	sdelay $0x3  }
0x96: {  	_ =	strace s2  }
0x97: {  	_ =	strace $0x8FFFFFFF  }
0x98: {  	s20 =	sld [smem:$0x3FDB];
	_ =	sdelay $0x1  }
0x99: {  	s4 =	simm.s32 $_scs_section_size  }
0x9a: {  	s5 =	simm.s32 $_size__tile_overlayer_lowered;
	s6 =	simm.s32 $_tile_overlayer_lowered  }
0x9b: {  	s7 =	simm.s32 $0x1BFF;
	s21 =	sshll.u32 s6, $0x1;
	s4 =	sadd.s32 s4, s20  }
0x9c: {  	s22 =	simm.s32 $0x0;
	s5 =	sshll.u32 s5, $0x1;
	s6 =	sadd.s32 s21, s4  }
0x9d: {  	[timem:s22], [sflag:s7] =	dma.local [hbm:s6], s5  }
0x9e: {  	_ =	swait.ge [sflag:s7], s5  }
0x9f: {  	s5 =	ssub.s32 $0x0, s5;
	[sflag:s7] =	ssyncset.done $0x0  }
0xa0: {  	[sflag:s7] =	ssyncadd.s32 s5;
	_ =	sdelay $0x1  }
0xa1: {  	s23 =	simm.s32 $0x1B8B  }
0xa2: {  	_ =	swait.ge [sflag:s23], $0x1  }
0xa3: {  	[sflag:s23] =	ssyncset.done $0x0  }
0xa4: {  	[sflag:s23] =	ssyncadd.s32 $0xFFFFFFFF  }
0xa5: {  	s5 =	sld [smem:$0x0]  }
0xa6: {  	s6 =	sand.u32 $0xFFFFFFFE, s1  }
0xa7: {  	p0 =	sne.s32 s1, s6  }
0xa8: {  	s6 =	sshll.u32 @p0 s6, $0xE  }
0xa9: {  	s6 =	sadd.s32 @p0 $0x11B8D, s6;
	s7 =	sshll.u32 @p0 s5, $0x11  }
0xaa: {  	s6 =	sor.u32 @p0 s7, s6  }
0xab: {  	[sflag:s6] =	ssyncadd.remote.s32 @p0 $0x1;
	_ =	sdelay $0x1  }
0xac: {  	s6 =	simm.s32 @p0 $0x1B8D  }
0xad: {  	_ =	swait.eq @p0 [sflag:s6], $0x1  }
0xae: {  	[sflag:s6] =	ssyncadd.s32 @p0 $0xFFFFFFFF  }
0xaf: {  	s7 =	sshll.u32 @!p0 s1, $0xE  }
0xb0: {  	s7 =	sor.u32 @!p0 $0x4000, s7;
	s6 =	simm.s32 @!p0 $0x1B8D  }
0xb1: {  	s5 =	sshll.u32 @!p0 s5, $0x11;
	s7 =	sadd.s32 @!p0 $0x11B8D, s7;
	_ =	swait.eq @!p0 [sflag:s6], $0x1  }
0xb2: {  	s5 =	sor.u32 @!p0 s5, s7;
	[sflag:s6] =	ssyncadd.s32 @!p0 $0xFFFFFFFF  }
0xb3: {  	s25 =	simm.s32 $0x1B8E;
	s24 =	sld [smem:$0x3FFE];
	[sflag:s5] =	ssyncadd.remote.s32 @!p0 $0x1  }
0xb4: {  	s26 =	simm.s32 $execute0_lowered;
	[smem:$0x3FD2] =	sst s25  }
0xb5: {  	s6 =	sshll.u32 s26, $0x1;
	_ =	strace $0x80000049;
	[dreg:$0x1] =	wrdreg $0xFFFFFFFF  }
0xb6: {  	s28 =	simm.s32 $_size_execute0_lowered;
	s4 =	sadd.s32 s4, s6;
	[dreg:$0x0] =	wrdreg $0x0  }
0xb7: {  	s6 =	sshll.u32 s28, $0x1;
	[dreg:$0x2] =	wrdreg s4  }
0xb8: {  	[dreg:$0x3] =	wrdreg s6  }
0xb9: {  	[dreg:$0x4] =	wrdreg $0xC0  }
0xba: {  	_ =	task [dreg:s22], $0x5FFFF  }
0xbb: {  	[dreg:$0x1] =	wrdreg $0xFFFFFFFF  }
0xbc: {  	[dreg:$0x0] =	wrdreg $0x60  }
0xbd: {  	[dreg:$0x2] =	wrdreg s18  }
0xbe: {  	[dreg:$0x3] =	wrdreg s24  }
0xbf: {  	[dreg:$0x4] =	wrdreg $0xA  }
0xc0: {  	_ =	task.clear_ibuf [dreg:s22], $0x5FFFF;
	_ =	strace $0x90000049  }
0xc1: {  	s29 =	simm.s32 $0xA;
	_ =	strace $0x8000004B  }
0xc2: {  	_ =	swait.ge [sflag:s29], $0x1  }
0xc3: {  	[sflag:s29] =	ssyncadd.s32 $0xFFFFFFFF  }
0xc4: {  	_ =	strace $0x9000004B  }
0xc5: {  	_ =	sfence  }
0xc6: {  	s30 =	sld [smem:$0x0];
	_ =	sdelay $0x2  }
0xc7: {  	s31 =	sshll.u32 s1, $0xD;
	s1 =	sshrl.u32 s1, $0x2  }
0xc8: {  	s4 =	sand.u32 $0x4000, s31;
	s1 =	sadd.s32 s1, s30  }
0xc9: {  	s0 =	sor.u32 s4, s0;
	s1 =	sshll.u32 s1, $0x11  }
0xca: {  	s0 =	sor.u32 s1, s0  }
0xcb: {  	s0 =	sadd.s32 $0x8F2B, s0  }
0xcc: {  	[sflag:s0] =	ssyncadd.remote.s32 $0x1  }
0xcd: {  	_ =	sfence.sel $0xFFFF  }
0xce: {  	[dreg:$0x0] =	wrdreg $0xFFFFFFFF;
	(pc) =	sbr.abs _section_cstart, $3  }
0xcf: {  	[dreg:$0x1] =	wrdreg $0xFFFFFFFF  }
0xd0: {  	_ =	task.clear_ibuf [dreg:s22], $0x2FFFF;
	_ =	strace $0x9FFFFFFF  }
0xd1: {  	(tm) =	ssettm $0x7FFFFFFF  }
tec
execute0_lowered:
.L_overlay_start_1:
0x0: {  	(tag) =	ssettag $0x1  }
0x1: {  	s0 =	rddreg [dreg:$0x0]  }
0x2: {  	s1 =	rddreg [dreg:$0x1];
	s2 =	simm.s32 $0x0;
	s3 =	srdreg.scid  }
0x3: {  	s4 =	stileid.u32;
	s7 =	simm.s32 $0x2;
	s8 =	simm.s32 $0x80  }
0x4: {  	s9 =	simm.s32 $0x2000;
	s24 =	simm.s32 $0x3B00;
	s25 =	simm.s32 $0x1B80  }
0x5: {  	s28 =	simm.s32 $0x1C00;
	s29 =	simm.s32 $0x3C00;
	s30 =	simm.s32 $0x1C80  }
0x6: {  	s31 =	simm.s32 $0x3C80;
	s10 =	simm.s32 $0x1D80;
	s11 =	simm.s32 $0x3D80  }
0x7: {  	s12 =	simm.s32 $0x1E00;
	s13 =	simm.s32 $0x3E00;
	s14 =	simm.s32 $0x1E80  }
0x8: {  	s15 =	simm.s32 $0x3E80;
	s16 =	simm.s32 $0x1F00;
	s17 =	simm.s32 $0x3F00  }
0x9: {  	s18 =	simm.s32 $0x1F80;
	s19 =	simm.s32 $0x3F80;
	s20 =	simm.s32 $0x1  }
0xa: {  	s21 =	simm.s32 $0x0;
	[smem:$0x7FF] =	sst s2;
	s3 =	sand.u32 $0x1, s3  }
0xb: {  	s4 =	sshll.u32 s4, $0xB;
	s5 =	sshll.u32 s3, $0xA;
	s6 =	ssub.s32 $0x2, s3  }
0xc: {  	_ =	strace $0x8000004A;
	s4 =	sor.u32 s5, s4;
	s26 =	sshrl.u32 s6, $0x1  }
0xd: {  	s3 =	sadd.s32 $0x3A800, s1;
	s1 =	sadd.s32 s4, s1;
	s6 =	ssub.s32 s6, s26  }
0xe: {  	s4 =	sadd.s32 s0, s4;
	s26 =	simm.s32 $0x3B80;
	s0 =	simm.s32 $0x1D00  }
0xf: {  	s5 =	sadd.s32 $0x6B600, s1;
	s6 =	smax.u32 s6, $0x1;
	s1 =	simm.s32 $0x3D00  }
.LBB2_1:
0x10: {  	[tilespmem:s2], [sflag:$0x2] =	stream.linear.gather [hbm4b:s4+s2], $0x2000, $0x38;
	[tilespmem:$0x4000] =	vst v63  }
0x11: {  	_ =	swait.ge [sflag:s7], $0x2000  }
0x12: {  	[sflag:s7] =	ssyncset.done $0x0  }
0x13: {  	[sflag:s7] =	ssyncadd.s32 $0xFFFFE000  }
0x14: {  	[tilespmem:s9], [sflag:$0x1] =	stream.indirect.gather [hbm4b:s3+s8], $0x1, s2, s8, $0xb8;
	[tilespmem:$0x4000] =	vst v63  }
0x15: {  	s22 =	simm.s32 $0x2080  }
0x16: {  	[tilespmem:s22], [sflag:$0x1] =	stream.indirect.gather [hbm4b:s3+s8], $0x1, s8, s8, $0xb8;
	[tilespmem:$0x4000] =	vst v63  }
0x17: {  	s23 =	simm.s32 $0x2100;
	s22 =	simm.s32 $0x100  }
0x18: {  	[tilespmem:s23], [sflag:$0x1] =	stream.indirect.gather [hbm4b:s3+s8], $0x1, s22, s8, $0xb8;
	[tilespmem:$0x4000] =	vst v63  }
0x19: {  	s22 =	simm.s32 $0x180;
	s23 =	simm.s32 $0x2180  }
0x1a: {  	[tilespmem:s23], [sflag:$0x1] =	stream.indirect.gather [hbm4b:s3+s8], $0x1, s22, s8, $0xb8;
	[tilespmem:$0x4000] =	vst v63  }
0x1b: {  	s22 =	simm.s32 $0x200;
	s23 =	simm.s32 $0x2200  }
0x1c: {  	[tilespmem:s23], [sflag:$0x1] =	stream.indirect.gather [hbm4b:s3+s8], $0x1, s22, s8, $0xb8;
	[tilespmem:$0x4000] =	vst v63  }
0x1d: {  	s22 =	simm.s32 $0x280;
	s23 =	simm.s32 $0x2280  }
0x1e: {  	[tilespmem:s23], [sflag:$0x1] =	stream.indirect.gather [hbm4b:s3+s8], $0x1, s22, s8, $0xb8;
	[tilespmem:$0x4000] =	vst v63  }
0x1f: {  	s22 =	simm.s32 $0x300;
	s23 =	simm.s32 $0x2300  }
0x20: {  	[tilespmem:s23], [sflag:$0x1] =	stream.indirect.gather [hbm4b:s3+s8], $0x1, s22, s8, $0xb8;
	[tilespmem:$0x4000] =	vst v63  }
0x21: {  	s22 =	simm.s32 $0x380;
	s23 =	simm.s32 $0x2380  }
0x22: {  	[tilespmem:s23], [sflag:$0x1] =	stream.indirect.gather [hbm4b:s3+s8], $0x1, s22, s8, $0xb8;
	[tilespmem:$0x4000] =	vst v63  }
0x23: {  	s22 =	simm.s32 $0x400;
	s23 =	simm.s32 $0x2400  }
0x24: {  	[tilespmem:s23], [sflag:$0x1] =	stream.indirect.gather [hbm4b:s3+s8], $0x1, s22, s8, $0xb8;
	[tilespmem:$0x4000] =	vst v63  }
0x25: {  	s22 =	simm.s32 $0x480;
	s23 =	simm.s32 $0x2480  }
0x26: {  	[tilespmem:s23], [sflag:$0x1] =	stream.indirect.gather [hbm4b:s3+s8], $0x1, s22, s8, $0xb8;
	[tilespmem:$0x4000] =	vst v63  }
0x27: {  	s22 =	simm.s32 $0x500;
	s23 =	simm.s32 $0x2500  }
0x28: {  	[tilespmem:s23], [sflag:$0x1] =	stream.indirect.gather [hbm4b:s3+s8], $0x1, s22, s8, $0xb8;
	[tilespmem:$0x4000] =	vst v63  }
0x29: {  	s22 =	simm.s32 $0x580;
	s23 =	simm.s32 $0x2580  }
0x2a: {  	[tilespmem:s23], [sflag:$0x1] =	stream.indirect.gather [hbm4b:s3+s8], $0x1, s22, s8, $0xb8;
	[tilespmem:$0x4000] =	vst v63  }
0x2b: {  	s22 =	simm.s32 $0x600;
	s23 =	simm.s32 $0x2600  }
0x2c: {  	[tilespmem:s23], [sflag:$0x1] =	stream.indirect.gather [hbm4b:s3+s8], $0x1, s22, s8, $0xb8;
	[tilespmem:$0x4000] =	vst v63  }
0x2d: {  	s22 =	simm.s32 $0x680;
	s23 =	simm.s32 $0x2680  }
0x2e: {  	[tilespmem:s23], [sflag:$0x1] =	stream.indirect.gather [hbm4b:s3+s8], $0x1, s22, s8, $0xb8;
	[tilespmem:$0x4000] =	vst v63  }
0x2f: {  	s22 =	simm.s32 $0x700;
	s23 =	simm.s32 $0x2700  }
0x30: {  	[tilespmem:s23], [sflag:$0x1] =	stream.indirect.gather [hbm4b:s3+s8], $0x1, s22, s8, $0xb8;
	[tilespmem:$0x4000] =	vst v63  }
0x31: {  	s22 =	simm.s32 $0x780;
	s23 =	simm.s32 $0x2780  }
0x32: {  	[tilespmem:s23], [sflag:$0x1] =	stream.indirect.gather [hbm4b:s3+s8], $0x1, s22, s8, $0xb8;
	[tilespmem:$0x4000] =	vst v63  }
0x33: {  	s22 =	simm.s32 $0x800;
	s23 =	simm.s32 $0x2800  }
0x34: {  	[tilespmem:s23], [sflag:$0x1] =	stream.indirect.gather [hbm4b:s3+s8], $0x1, s22, s8, $0xb8;
	[tilespmem:$0x4000] =	vst v63  }
0x35: {  	s22 =	simm.s32 $0x880;
	s23 =	simm.s32 $0x2880  }
0x36: {  	[tilespmem:s23], [sflag:$0x1] =	stream.indirect.gather [hbm4b:s3+s8], $0x1, s22, s8, $0xb8;
	[tilespmem:$0x4000] =	vst v63  }
0x37: {  	s22 =	simm.s32 $0x900;
	s23 =	simm.s32 $0x2900  }
0x38: {  	[tilespmem:s23], [sflag:$0x1] =	stream.indirect.gather [hbm4b:s3+s8], $0x1, s22, s8, $0xb8;
	[tilespmem:$0x4000] =	vst v63  }
0x39: {  	s22 =	simm.s32 $0x980;
	s23 =	simm.s32 $0x2980  }
0x3a: {  	[tilespmem:s23], [sflag:$0x1] =	stream.indirect.gather [hbm4b:s3+s8], $0x1, s22, s8, $0xb8;
	[tilespmem:$0x4000] =	vst v63  }
0x3b: {  	s22 =	simm.s32 $0xA00;
	s23 =	simm.s32 $0x2A00  }
0x3c: {  	[tilespmem:s23], [sflag:$0x1] =	stream.indirect.gather [hbm4b:s3+s8], $0x1, s22, s8, $0xb8;
	[tilespmem:$0x4000] =	vst v63  }
0x3d: {  	s22 =	simm.s32 $0xA80;
	s23 =	simm.s32 $0x2A80  }
0x3e: {  	[tilespmem:s23], [sflag:$0x1] =	stream.indirect.gather [hbm4b:s3+s8], $0x1, s22, s8, $0xb8;
	[tilespmem:$0x4000] =	vst v63  }
0x3f: {  	s22 =	simm.s32 $0xB00;
	s23 =	simm.s32 $0x2B00  }
0x40: {  	[tilespmem:s23], [sflag:$0x1] =	stream.indirect.gather [hbm4b:s3+s8], $0x1, s22, s8, $0xb8;
	[tilespmem:$0x4000] =	vst v63  }
0x41: {  	s22 =	simm.s32 $0xB80;
	s23 =	simm.s32 $0x2B80  }
0x42: {  	[tilespmem:s23], [sflag:$0x1] =	stream.indirect.gather [hbm4b:s3+s8], $0x1, s22, s8, $0xb8;
	[tilespmem:$0x4000] =	vst v63  }
0x43: {  	s22 =	simm.s32 $0xC00;
	s23 =	simm.s32 $0x2C00  }
0x44: {  	[tilespmem:s23], [sflag:$0x1] =	stream.indirect.gather [hbm4b:s3+s8], $0x1, s22, s8, $0xb8;
	[tilespmem:$0x4000] =	vst v63  }
0x45: {  	s22 =	simm.s32 $0xC80;
	s23 =	simm.s32 $0x2C80  }
0x46: {  	[tilespmem:s23], [sflag:$0x1] =	stream.indirect.gather [hbm4b:s3+s8], $0x1, s22, s8, $0xb8;
	[tilespmem:$0x4000] =	vst v63  }
0x47: {  	s22 =	simm.s32 $0xD00;
	s23 =	simm.s32 $0x2D00  }
0x48: {  	[tilespmem:s23], [sflag:$0x1] =	stream.indirect.gather [hbm4b:s3+s8], $0x1, s22, s8, $0xb8;
	[tilespmem:$0x4000] =	vst v63  }
0x49: {  	s22 =	simm.s32 $0xD80;
	s23 =	simm.s32 $0x2D80  }
0x4a: {  	[tilespmem:s23], [sflag:$0x1] =	stream.indirect.gather [hbm4b:s3+s8], $0x1, s22, s8, $0xb8;
	[tilespmem:$0x4000] =	vst v63  }
0x4b: {  	s22 =	simm.s32 $0xE00;
	s23 =	simm.s32 $0x2E00  }
0x4c: {  	[tilespmem:s23], [sflag:$0x1] =	stream.indirect.gather [hbm4b:s3+s8], $0x1, s22, s8, $0xb8;
	[tilespmem:$0x4000] =	vst v63  }
0x4d: {  	s22 =	simm.s32 $0xE80;
	s23 =	simm.s32 $0x2E80  }
0x4e: {  	[tilespmem:s23], [sflag:$0x1] =	stream.indirect.gather [hbm4b:s3+s8], $0x1, s22, s8, $0xb8;
	[tilespmem:$0x4000] =	vst v63  }
0x4f: {  	s22 =	simm.s32 $0xF00;
	s23 =	simm.s32 $0x2F00  }
0x50: {  	[tilespmem:s23], [sflag:$0x1] =	stream.indirect.gather [hbm4b:s3+s8], $0x1, s22, s8, $0xb8;
	[tilespmem:$0x4000] =	vst v63  }
0x51: {  	s22 =	simm.s32 $0xF80;
	s23 =	simm.s32 $0x2F80  }
0x52: {  	[tilespmem:s23], [sflag:$0x1] =	stream.indirect.gather [hbm4b:s3+s8], $0x1, s22, s8, $0xb8;
	[tilespmem:$0x4000] =	vst v63  }
0x53: {  	s22 =	simm.s32 $0x1000;
	s23 =	simm.s32 $0x3000  }
0x54: {  	[tilespmem:s23], [sflag:$0x1] =	stream.indirect.gather [hbm4b:s3+s8], $0x1, s22, s8, $0xb8;
	[tilespmem:$0x4000] =	vst v63  }
0x55: {  	s22 =	simm.s32 $0x1080;
	s23 =	simm.s32 $0x3080  }
0x56: {  	[tilespmem:s23], [sflag:$0x1] =	stream.indirect.gather [hbm4b:s3+s8], $0x1, s22, s8, $0xb8;
	[tilespmem:$0x4000] =	vst v63  }
0x57: {  	s22 =	simm.s32 $0x1100;
	s23 =	simm.s32 $0x3100  }
0x58: {  	[tilespmem:s23], [sflag:$0x1] =	stream.indirect.gather [hbm4b:s3+s8], $0x1, s22, s8, $0xb8;
	[tilespmem:$0x4000] =	vst v63  }
0x59: {  	s22 =	simm.s32 $0x1180;
	s23 =	simm.s32 $0x3180  }
0x5a: {  	[tilespmem:s23], [sflag:$0x1] =	stream.indirect.gather [hbm4b:s3+s8], $0x1, s22, s8, $0xb8;
	[tilespmem:$0x4000] =	vst v63  }
0x5b: {  	s22 =	simm.s32 $0x1200;
	s23 =	simm.s32 $0x3200  }
0x5c: {  	[tilespmem:s23], [sflag:$0x1] =	stream.indirect.gather [hbm4b:s3+s8], $0x1, s22, s8, $0xb8;
	[tilespmem:$0x4000] =	vst v63  }
0x5d: {  	s22 =	simm.s32 $0x1280;
	s23 =	simm.s32 $0x3280  }
0x5e: {  	[tilespmem:s23], [sflag:$0x1] =	stream.indirect.gather [hbm4b:s3+s8], $0x1, s22, s8, $0xb8;
	[tilespmem:$0x4000] =	vst v63  }
0x5f: {  	s22 =	simm.s32 $0x1300;
	s23 =	simm.s32 $0x3300  }
0x60: {  	[tilespmem:s23], [sflag:$0x1] =	stream.indirect.gather [hbm4b:s3+s8], $0x1, s22, s8, $0xb8;
	[tilespmem:$0x4000] =	vst v63  }
0x61: {  	s22 =	simm.s32 $0x1380;
	s23 =	simm.s32 $0x3380  }
0x62: {  	[tilespmem:s23], [sflag:$0x1] =	stream.indirect.gather [hbm4b:s3+s8], $0x1, s22, s8, $0xb8;
	[tilespmem:$0x4000] =	vst v63  }
0x63: {  	s22 =	simm.s32 $0x1400;
	s23 =	simm.s32 $0x3400  }
0x64: {  	[tilespmem:s23], [sflag:$0x1] =	stream.indirect.gather [hbm4b:s3+s8], $0x1, s22, s8, $0xb8;
	[tilespmem:$0x4000] =	vst v63  }
0x65: {  	s22 =	simm.s32 $0x1480;
	s23 =	simm.s32 $0x3480  }
0x66: {  	[tilespmem:s23], [sflag:$0x1] =	stream.indirect.gather [hbm4b:s3+s8], $0x1, s22, s8, $0xb8;
	[tilespmem:$0x4000] =	vst v63  }
0x67: {  	s22 =	simm.s32 $0x1500;
	s23 =	simm.s32 $0x3500  }
0x68: {  	[tilespmem:s23], [sflag:$0x1] =	stream.indirect.gather [hbm4b:s3+s8], $0x1, s22, s8, $0xb8;
	[tilespmem:$0x4000] =	vst v63  }
0x69: {  	s22 =	simm.s32 $0x1580;
	s23 =	simm.s32 $0x3580  }
0x6a: {  	[tilespmem:s23], [sflag:$0x1] =	stream.indirect.gather [hbm4b:s3+s8], $0x1, s22, s8, $0xb8;
	[tilespmem:$0x4000] =	vst v63  }
0x6b: {  	s22 =	simm.s32 $0x1600;
	s23 =	simm.s32 $0x3600  }
0x6c: {  	[tilespmem:s23], [sflag:$0x1] =	stream.indirect.gather [hbm4b:s3+s8], $0x1, s22, s8, $0xb8;
	[tilespmem:$0x4000] =	vst v63  }
0x6d: {  	s22 =	simm.s32 $0x1680;
	s23 =	simm.s32 $0x3680  }
0x6e: {  	[tilespmem:s23], [sflag:$0x1] =	stream.indirect.gather [hbm4b:s3+s8], $0x1, s22, s8, $0xb8;
	[tilespmem:$0x4000] =	vst v63  }
0x6f: {  	s22 =	simm.s32 $0x1700;
	s23 =	simm.s32 $0x3700  }
0x70: {  	[tilespmem:s23], [sflag:$0x1] =	stream.indirect.gather [hbm4b:s3+s8], $0x1, s22, s8, $0xb8;
	[tilespmem:$0x4000] =	vst v63  }
0x71: {  	s22 =	simm.s32 $0x1780;
	s23 =	simm.s32 $0x3780  }
0x72: {  	[tilespmem:s23], [sflag:$0x1] =	stream.indirect.gather [hbm4b:s3+s8], $0x1, s22, s8, $0xb8;
	[tilespmem:$0x4000] =	vst v63  }
0x73: {  	s22 =	simm.s32 $0x1800;
	s23 =	simm.s32 $0x3800  }
0x74: {  	[tilespmem:s23], [sflag:$0x1] =	stream.indirect.gather [hbm4b:s3+s8], $0x1, s22, s8, $0xb8;
	[tilespmem:$0x4000] =	vst v63  }
0x75: {  	s22 =	simm.s32 $0x1880;
	s23 =	simm.s32 $0x3880  }
0x76: {  	[tilespmem:s23], [sflag:$0x1] =	stream.indirect.gather [hbm4b:s3+s8], $0x1, s22, s8, $0xb8;
	[tilespmem:$0x4000] =	vst v63  }
0x77: {  	s22 =	simm.s32 $0x1900;
	s23 =	simm.s32 $0x3900  }
0x78: {  	[tilespmem:s23], [sflag:$0x1] =	stream.indirect.gather [hbm4b:s3+s8], $0x1, s22, s8, $0xb8;
	[tilespmem:$0x4000] =	vst v63  }
0x79: {  	s22 =	simm.s32 $0x1980;
	s23 =	simm.s32 $0x3980  }
0x7a: {  	[tilespmem:s23], [sflag:$0x1] =	stream.indirect.gather [hbm4b:s3+s8], $0x1, s22, s8, $0xb8;
	[tilespmem:$0x4000] =	vst v63  }
0x7b: {  	s22 =	simm.s32 $0x1A00;
	s23 =	simm.s32 $0x3A00  }
0x7c: {  	[tilespmem:s23], [sflag:$0x1] =	stream.indirect.gather [hbm4b:s3+s8], $0x1, s22, s8, $0xb8;
	[tilespmem:$0x4000] =	vst v63  }
0x7d: {  	s22 =	simm.s32 $0x1A80;
	s23 =	simm.s32 $0x3A80  }
0x7e: {  	[tilespmem:s23], [sflag:$0x1] =	stream.indirect.gather [hbm4b:s3+s8], $0x1, s22, s8, $0xb8;
	[tilespmem:$0x4000] =	vst v63  }
0x7f: {  	s23 =	simm.s32 $0x1B00  }
0x80: {  	[tilespmem:s24], [sflag:$0x1] =	stream.indirect.gather [hbm4b:s3+s8], $0x1, s23, s8, $0xb8;
	[tilespmem:$0x4000] =	vst v63  }
0x81: {  	_ = 	snop  }
0x82: {  	[tilespmem:s26], [sflag:$0x1] =	stream.indirect.gather [hbm4b:s3+s8], $0x1, s25, s8, $0xb8;
	[tilespmem:$0x4000] =	vst v63  }
0x83: {  	_ = 	snop  }
0x84: {  	[tilespmem:s29], [sflag:$0x1] =	stream.indirect.gather [hbm4b:s3+s8], $0x1, s28, s8, $0xb8;
	[tilespmem:$0x4000] =	vst v63  }
0x85: {  	_ = 	snop  }
0x86: {  	[tilespmem:s31], [sflag:$0x1] =	stream.indirect.gather [hbm4b:s3+s8], $0x1, s30, s8, $0xb8;
	[tilespmem:$0x4000] =	vst v63  }
0x87: {  	_ = 	snop  }
0x88: {  	[tilespmem:s1], [sflag:$0x1] =	stream.indirect.gather [hbm4b:s3+s8], $0x1, s0, s8, $0xb8;
	[tilespmem:$0x4000] =	vst v63  }
0x89: {  	_ = 	snop  }
0x8a: {  	[tilespmem:s11], [sflag:$0x1] =	stream.indirect.gather [hbm4b:s3+s8], $0x1, s10, s8, $0xb8;
	[tilespmem:$0x4000] =	vst v63  }
0x8b: {  	_ = 	snop  }
0x8c: {  	[tilespmem:s13], [sflag:$0x1] =	stream.indirect.gather [hbm4b:s3+s8], $0x1, s12, s8, $0xb8;
	[tilespmem:$0x4000] =	vst v63  }
0x8d: {  	_ = 	snop  }
0x8e: {  	[tilespmem:s15], [sflag:$0x1] =	stream.indirect.gather [hbm4b:s3+s8], $0x1, s14, s8, $0xb8;
	[tilespmem:$0x4000] =	vst v63  }
0x8f: {  	_ = 	snop  }
0x90: {  	[tilespmem:s17], [sflag:$0x1] =	stream.indirect.gather [hbm4b:s3+s8], $0x1, s16, s8, $0xb8;
	[tilespmem:$0x4000] =	vst v63  }
0x91: {  	_ = 	snop  }
0x92: {  	[tilespmem:s19], [sflag:$0x1] =	stream.indirect.gather [hbm4b:s3+s8], $0x1, s18, s8, $0xb8;
	[tilespmem:$0x4000] =	vst v63  }
0x93: {  	_ =	swait.ge [sflag:s20], $0x80  }
0x94: {  	[sflag:s20] =	ssyncset.done $0x0  }
0x95: {  	[sflag:s20] =	ssyncadd.s32 $0xFFFFFF80  }
0x96: {  	_ =	swait.ge [sflag:s20], $0x80  }
0x97: {  	[sflag:s20] =	ssyncset.done $0x0  }
0x98: {  	[sflag:s20] =	ssyncadd.s32 $0xFFFFFF80  }
0x99: {  	_ =	swait.ge [sflag:s20], $0x80  }
0x9a: {  	[sflag:s20] =	ssyncset.done $0x0  }
0x9b: {  	[sflag:s20] =	ssyncadd.s32 $0xFFFFFF80  }
0x9c: {  	_ =	swait.ge [sflag:s20], $0x80  }
0x9d: {  	[sflag:s20] =	ssyncset.done $0x0  }
0x9e: {  	[sflag:s20] =	ssyncadd.s32 $0xFFFFFF80  }
0x9f: {  	_ =	swait.ge [sflag:s20], $0x80  }
0xa0: {  	[sflag:s20] =	ssyncset.done $0x0  }
0xa1: {  	[sflag:s20] =	ssyncadd.s32 $0xFFFFFF80  }
0xa2: {  	_ =	swait.ge [sflag:s20], $0x80  }
0xa3: {  	[sflag:s20] =	ssyncset.done $0x0  }
0xa4: {  	[sflag:s20] =	ssyncadd.s32 $0xFFFFFF80  }
0xa5: {  	_ =	swait.ge [sflag:s20], $0x80  }
0xa6: {  	[sflag:s20] =	ssyncset.done $0x0  }
0xa7: {  	[sflag:s20] =	ssyncadd.s32 $0xFFFFFF80  }
0xa8: {  	_ =	swait.ge [sflag:s20], $0x80  }
0xa9: {  	[sflag:s20] =	ssyncset.done $0x0  }
0xaa: {  	[sflag:s20] =	ssyncadd.s32 $0xFFFFFF80  }
0xab: {  	_ =	swait.ge [sflag:s20], $0x80  }
0xac: {  	[sflag:s20] =	ssyncset.done $0x0  }
0xad: {  	[sflag:s20] =	ssyncadd.s32 $0xFFFFFF80  }
0xae: {  	_ =	swait.ge [sflag:s20], $0x80  }
0xaf: {  	[sflag:s20] =	ssyncset.done $0x0  }
0xb0: {  	[sflag:s20] =	ssyncadd.s32 $0xFFFFFF80  }
0xb1: {  	_ =	swait.ge [sflag:s20], $0x80  }
0xb2: {  	[sflag:s20] =	ssyncset.done $0x0  }
0xb3: {  	[sflag:s20] =	ssyncadd.s32 $0xFFFFFF80  }
0xb4: {  	_ =	swait.ge [sflag:s20], $0x80  }
0xb5: {  	[sflag:s20] =	ssyncset.done $0x0  }
0xb6: {  	[sflag:s20] =	ssyncadd.s32 $0xFFFFFF80  }
0xb7: {  	_ =	swait.ge [sflag:s20], $0x80  }
0xb8: {  	[sflag:s20] =	ssyncset.done $0x0  }
0xb9: {  	[sflag:s20] =	ssyncadd.s32 $0xFFFFFF80  }
0xba: {  	_ =	swait.ge [sflag:s20], $0x80  }
0xbb: {  	[sflag:s20] =	ssyncset.done $0x0  }
0xbc: {  	[sflag:s20] =	ssyncadd.s32 $0xFFFFFF80  }
0xbd: {  	_ =	swait.ge [sflag:s20], $0x80  }
0xbe: {  	[sflag:s20] =	ssyncset.done $0x0  }
0xbf: {  	[sflag:s20] =	ssyncadd.s32 $0xFFFFFF80  }
0xc0: {  	_ =	swait.ge [sflag:s20], $0x80  }
0xc1: {  	s22 =	simm.s32 $0x3;
	[sflag:s20] =	ssyncset.done $0x0  }
.LBB2_2:
0xc2: {  	p0 =	sne.s32 s22, $0x1;
	s22 =	sadd.s32 $0xFFFFFFFF, s22;
	[sflag:s20] =	ssyncadd.s32 $0xFFFFFF80  }
0xc3: {  	_ =	swait.ge [sflag:s20], $0x80  }
0xc4: {  	[sflag:s20] =	ssyncset.done $0x0  }
0xc5: {  	[sflag:s20] =	ssyncadd.s32 $0xFFFFFF80  }
0xc6: {  	_ =	swait.ge [sflag:s20], $0x80  }
0xc7: {  	[sflag:s20] =	ssyncset.done $0x0  }
0xc8: {  	[sflag:s20] =	ssyncadd.s32 $0xFFFFFF80  }
0xc9: {  	_ =	swait.ge [sflag:s20], $0x80  }
0xca: {  	[sflag:s20] =	ssyncset.done $0x0  }
0xcb: {  	[sflag:s20] =	ssyncadd.s32 $0xFFFFFF80  }
0xcc: {  	_ =	swait.ge [sflag:s20], $0x80  }
0xcd: {  	[sflag:s20] =	ssyncset.done $0x0  }
0xce: {  	[sflag:s20] =	ssyncadd.s32 $0xFFFFFF80  }
0xcf: {  	_ =	swait.ge [sflag:s20], $0x80  }
0xd0: {  	[sflag:s20] =	ssyncset.done $0x0  }
0xd1: {  	[sflag:s20] =	ssyncadd.s32 $0xFFFFFF80  }
0xd2: {  	_ =	swait.ge [sflag:s20], $0x80  }
0xd3: {  	[sflag:s20] =	ssyncset.done $0x0  }
0xd4: {  	[sflag:s20] =	ssyncadd.s32 $0xFFFFFF80  }
0xd5: {  	_ =	swait.ge [sflag:s20], $0x80  }
0xd6: {  	[sflag:s20] =	ssyncset.done $0x0  }
0xd7: {  	[sflag:s20] =	ssyncadd.s32 $0xFFFFFF80  }
0xd8: {  	_ =	swait.ge [sflag:s20], $0x80  }
0xd9: {  	[sflag:s20] =	ssyncset.done $0x0  }
0xda: {  	[sflag:s20] =	ssyncadd.s32 $0xFFFFFF80  }
0xdb: {  	_ =	swait.ge [sflag:s20], $0x80  }
0xdc: {  	[sflag:s20] =	ssyncset.done $0x0  }
0xdd: {  	[sflag:s20] =	ssyncadd.s32 $0xFFFFFF80  }
0xde: {  	_ =	swait.ge [sflag:s20], $0x80  }
0xdf: {  	[sflag:s20] =	ssyncset.done $0x0  }
0xe0: {  	[sflag:s20] =	ssyncadd.s32 $0xFFFFFF80  }
0xe1: {  	_ =	swait.ge [sflag:s20], $0x80  }
0xe2: {  	[sflag:s20] =	ssyncset.done $0x0  }
0xe3: {  	[sflag:s20] =	ssyncadd.s32 $0xFFFFFF80  }
0xe4: {  	_ =	swait.ge [sflag:s20], $0x80  }
0xe5: {  	[sflag:s20] =	ssyncset.done $0x0  }
0xe6: {  	[sflag:s20] =	ssyncadd.s32 $0xFFFFFF80  }
0xe7: {  	_ =	swait.ge [sflag:s20], $0x80  }
0xe8: {  	[sflag:s20] =	ssyncset.done $0x0  }
0xe9: {  	[sflag:s20] =	ssyncadd.s32 $0xFFFFFF80  }
0xea: {  	_ =	swait.ge [sflag:s20], $0x80  }
0xeb: {  	[sflag:s20] =	ssyncset.done $0x0  }
0xec: {  	[sflag:s20] =	ssyncadd.s32 $0xFFFFFF80  }
.Ltmp0:
0xed: {  	_ =	swait.ge [sflag:s20], $0x80;
	(pc) =	sbr.rel @p0 .LBB2_2-.Ltmp0, $4  }
0xee: {  	[sflag:s20] =	ssyncset.done $0x0  }
0xef: {  	[sflag:s20] =	ssyncadd.s32 $0xFFFFFF80  }
0xf0: {  	_ =	swait.ge [sflag:s20], $0x80  }
0xf1: {  	[sflag:s20] =	ssyncset.done $0x0  }
0xf2: {  	s21 =	sadd.s32 $0x1, s21  }
0xf3: {  	p0 =	sne.s32 s21, s6  }
.Ltmp1:
0xf4: {  	[sflag:s20] =	ssyncadd.s32 $0xFFFFFF80;
	(pc) =	sbr.rel @p0 .LBB2_1-.Ltmp1, $4  }
0xf5: {  	[hbm4b:s5+s2] =	stream.linear.scatter [tilespmem:s9], [sflag:$0x2], $0x2000, $0x38;
	[tilespmem:$0x4000] =	vst v63  }
0xf6: {  	_ =	swait.ge [sflag:s7], $0x2000  }
0xf7: {  	[sflag:s7] =	ssyncset.done $0x0  }
0xf8: {  	[sflag:s7] =	ssyncadd.s32 $0xFFFFE000  }
0xf9: {  	_ =	sfence.sel $0x180000  }
0xfa: {  	[bflag:$0x0] =	sbarrier.arrive $0xFFFF  }
0xfb: {  	_ =	strace $0x9000004A  }
0xfc: {  	s0 =	stileid.u32;
	[bflag:$0x2] =	sbarrier.arrive $0xFFFF  }
0xfd: {  	p0 =	sne.s32 s0, $0x0;
	s0 =	rddreg [dreg:$0x2]  }
0xfe: {  	s0 =	sadd.s32 @!p0 $0x100000, s0  }
0xff: {  	[sflag:s0] =	ssyncadd.tile.s32 @!p0 $0x1;
	_ =	shalt  }
.Lfunc_end2:
_tile_overlayer_lowered:
.L_overlay_start_2:
0x100: {  	(tag) =	ssettag $0x2  }
0x101: {  	s0 =	rddreg [dreg:$0x0];
	s2 =	stileid.u32  }
0x102: {  	s1 =	rddreg [dreg:$0x1];
	p0 =	sne.s32 s2, $0x0  }
0x103: {  	s3 =	rddreg [dreg:$0x2];
	[bflag:$0x3] =	sbarrier.arrive $0xFFFF;
	s2 =	simm.s32 @!p0 $0x1C02  }
0x104: {  	[timem:s3], [sflag:s2] =	dma.local @!p0 [hbm:s0], s1  }
0x105: {  	s0 =	simm.s32 @!p0 $0x2  }
0x106: {  	_ =	swait.ge @!p0 [sflag:s0], s1  }
0x107: {  	s1 =	ssub.s32 @!p0 $0x0, s1;
	[sflag:s0] =	ssyncset.done @!p0 $0x0  }
0x108: {  	[sflag:s0] =	ssyncadd.s32 @!p0 s1  }
0x109: {  	[bflag:$0x3] =	sbarrier.arrive $0xFFFF  }
0x10a: {  	_ =	shalt  }

</sc_bundles>
